<compile_context>
chip_gen: v7x
topology: tpu7x:2x2x1
jax: 0.10.2.dev20260603
libtpu: 0.0.44.dev20260713+nightly
codegen_flags: <defaults>
</compile_context>

<pallas_src>
import functools

import jax
import jax.numpy as jnp
from jax import lax
from jax.experimental import pallas as pl
from jax.experimental.pallas import tpu as pltpu
from jax.experimental.pallas import tpu_sc as plsc

_NC = 2
_NS = 16
_NW = _NC * _NS
_L = 16

_B = 80


def _part_chunks(n_chunks):
    p = min(25, n_chunks)
    while n_chunks % p:
        p -= 1
    return p
_TCB = 1024


def _sc_body(nodes_pad, n_edges,
             x_hbm, s_hbm, row_hbm, col_hbm, zb_hbm,
             a_out, t_out, deg_out, *scr):
    idx_rl, idx_cl = scr[0:2]
    idx_r = scr[2:5]
    idx_c = scr[5:8]
    cbuf = scr[8:11]
    sval = scr[11:14]
    ones_v, z1d, a_sp, t_sp, deg_sp = scr[14:19]
    sem_g = scr[19:22]
    sem_s = scr[22:25]
    sem_a = scr[25:28]
    sem_t = scr[28:31]
    sem_d = scr[31:34]

    cid = lax.axis_index("c")
    sid = lax.axis_index("s")
    wid = sid * _NC + cid
    e_per_w = n_edges // _NW
    n_chunks = e_per_w // _B
    per_tile = nodes_pad // _NS

    def _fill2(i, _):
        ones_v[pl.ds(i * _L, _L)] = jnp.ones((_L,), jnp.float32)
        return 0
    lax.fori_loop(0, (_B + _L - 1) // _L, _fill2, 0, unroll=4)

    def _fill1(i, _):
        z1d[pl.ds(i * _L, _L)] = jnp.zeros((_L,), jnp.float32)
        return 0
    lax.fori_loop(0, per_tile // _L, _fill1, 0, unroll=4)

    pltpu.sync_copy(zb_hbm, a_sp.at[pl.ds(sid * per_tile, per_tile)])
    pltpu.sync_copy(z1d, t_sp.at[pl.ds(sid * per_tile, per_tile)])
    pltpu.sync_copy(z1d, deg_sp.at[pl.ds(sid * per_tile, per_tile)])
    plsc.subcore_barrier()

    base_w = wid * e_per_w
    part = _part_chunks(n_chunks)

    def _stage_part(first_ci):
        src = pl.ds(base_w + first_ci * _B, part * _B)
        pltpu.sync_copy(row_hbm.at[src], idx_rl)
        pltpu.sync_copy(col_hbm.at[src], idx_cl)

    def _maybe_restage(nxt):
        if isinstance(nxt, int):
            if nxt % part == 0:
                _stage_part(nxt)
        else:
            @pl.when(nxt % part == 0)
            def _():
                _stage_part(nxt)

    def _load_idx(b, ci):
        off = (ci % part) * _B

        def _mv(k, _):
            sl_d = pl.ds(k * _L, _L)
            sl_s = pl.ds(off + k * _L, _L)
            idx_r[b][sl_d] = idx_rl[sl_s]
            idx_c[b][sl_d] = idx_cl[sl_s]
            return 0
        lax.fori_loop(0, _B // _L, _mv, 0, unroll=_B // _L)

    def _issue_gathers(b):
        pltpu.async_copy(x_hbm.at[idx_c[b]], cbuf[b], sem_g[b])
        pltpu.async_copy(s_hbm.at[idx_c[b]], sval[b], sem_s[b])

    def _wait_gathers(b):
        pltpu.make_async_copy(x_hbm.at[idx_c[b]], cbuf[b], sem_g[b]).wait()
        pltpu.make_async_copy(s_hbm.at[idx_c[b]], sval[b], sem_s[b]).wait()

    def _issue_scatters(b):
        pltpu.async_copy(cbuf[b], a_sp.at[idx_r[b]], sem_a[b], add=True)
        pltpu.async_copy(sval[b], t_sp.at[idx_r[b]], sem_t[b], add=True)
        pltpu.async_copy(ones_v, deg_sp.at[idx_r[b]], sem_d[b], add=True)

    def _drain_scatters(b):
        pltpu.make_async_copy(cbuf[b], a_sp.at[idx_r[b]], sem_a[b]).wait()
        pltpu.make_async_copy(sval[b], t_sp.at[idx_r[b]], sem_t[b]).wait()
        pltpu.make_async_copy(ones_v, deg_sp.at[idx_r[b]], sem_d[b]).wait()

    def _step(r, ci, drain_prev2, has_next):
        rn = (r + 1) % 3

        def _advance():
            _maybe_restage(ci + 1)
            _load_idx(rn, ci + 1)
            _issue_gathers(rn)

        if drain_prev2 is None:
            @pl.when(ci >= 2)
            def _():
                _drain_scatters(rn)
        elif drain_prev2:
            _drain_scatters(rn)
        if has_next is None:
            @pl.when(ci + 1 < n_chunks)
            def _():
                _advance()
        elif has_next:
            _advance()
        _wait_gathers(r)
        _issue_scatters(r)

    _stage_part(0)
    _load_idx(0, 0)
    _issue_gathers(0)

    n_groups = n_chunks // 3

    def _group(g, _):
        for r in range(3):
            _step(r, g * 3 + r, drain_prev2=None, has_next=None)
        return 0

    lax.fori_loop(0, n_groups, _group, 0)
    for ci in range(n_groups * 3, n_chunks):
        _step(ci % 3, ci, drain_prev2=ci >= 2, has_next=ci + 1 < n_chunks)
    for ci in range(max(n_chunks - 2, 0), n_chunks):
        _drain_scatters(ci % 3)
    plsc.subcore_barrier()

    sl = pl.ds(sid * per_tile, per_tile)
    pltpu.sync_copy(a_sp.at[sl], a_out.at[cid, sl])
    pltpu.sync_copy(t_sp.at[sl], t_out.at[cid, sl])
    pltpu.sync_copy(deg_sp.at[sl], deg_out.at[cid, sl])


def _tc_rowsumsq(x_ref, s_ref):
    x = x_ref[...]
    s_ref[...] = jnp.sum(x * x, axis=1)


def _tc_epilogue(x_ref, a_ref, s_ref, t_ref, d_ref, out_ref):
    a = a_ref[0] + a_ref[1]
    dot = jnp.sum(x_ref[...] * a, axis=1)
    t = t_ref[0] + t_ref[1]
    dg = d_ref[0] + d_ref[1]
    sums = dg * s_ref[...] + t - 2.0 * dot
    mean = jnp.where(dg > 0.0, sums / jnp.maximum(dg, 1.0), 0.0)
    out_ref[...] = jnp.tanh(mean)


def kernel(X, edge_index, W):
    del W
    n_nodes, d_feat = X.shape
    n_edges = edge_index.shape[1]
    nodes_pad = ((n_nodes + _NS * _L - 1) // (_NS * _L)) * (_NS * _L)

    Xp = jnp.zeros((nodes_pad, d_feat), X.dtype).at[:n_nodes].set(X)
    grid = nodes_pad // _TCB

    s = pl.pallas_call(
        _tc_rowsumsq,
        grid=(grid,),
        in_specs=[pl.BlockSpec((_TCB, d_feat), lambda i: (i, 0))],
        out_specs=pl.BlockSpec((_TCB,), lambda i: (i,)),
        out_shape=jax.ShapeDtypeStruct((nodes_pad,), jnp.float32),
    )(Xp)

    mesh = plsc.VectorSubcoreMesh(core_axis_name="c", subcore_axis_name="s")
    sc = pl.kernel(
        functools.partial(_sc_body, nodes_pad, n_edges),
        mesh=mesh,
        out_type=(
            jax.ShapeDtypeStruct((_NC, nodes_pad, d_feat), jnp.float32),
            jax.ShapeDtypeStruct((_NC, nodes_pad), jnp.float32),
            jax.ShapeDtypeStruct((_NC, nodes_pad), jnp.float32),
        ),
        scratch_types=[
            pltpu.VMEM(
                (_part_chunks(n_edges // _NW // _B) * _B,), jnp.int32)
            for _ in range(2)]
          + [pltpu.VMEM((_B,), jnp.int32) for _ in range(3)]
          + [pltpu.VMEM((_B,), jnp.int32) for _ in range(3)]
          + [pltpu.VMEM((_B, d_feat), jnp.float32) for _ in range(3)]
          + [pltpu.VMEM((_B,), jnp.float32) for _ in range(3)]
          + [
            pltpu.VMEM((((_B + _L - 1) // _L) * _L,), jnp.float32),
            pltpu.VMEM((nodes_pad // _NS,), jnp.float32),
            pltpu.VMEM_SHARED((nodes_pad, d_feat), jnp.float32),
            pltpu.VMEM_SHARED((nodes_pad,), jnp.float32),
            pltpu.VMEM_SHARED((nodes_pad,), jnp.float32),
        ] + [pltpu.SemaphoreType.DMA for _ in range(15)],
    )
    zb = jnp.zeros((nodes_pad // _NS, d_feat), jnp.float32)
    a2, t2, deg2 = sc(Xp, s, edge_index[0], edge_index[1], zb)

    gg_pad = pl.pallas_call(
        _tc_epilogue,
        grid=(grid,),
        in_specs=[
            pl.BlockSpec((_TCB, d_feat), lambda i: (i, 0)),
            pl.BlockSpec((_NC, _TCB, d_feat), lambda i: (0, i, 0)),
            pl.BlockSpec((_TCB,), lambda i: (i,)),
            pl.BlockSpec((_NC, _TCB), lambda i: (0, i)),
            pl.BlockSpec((_NC, _TCB), lambda i: (0, i)),
        ],
        out_specs=pl.BlockSpec((_TCB,), lambda i: (i,)),
        out_shape=jax.ShapeDtypeStruct((nodes_pad,), jnp.float32),
    )(Xp, a2, s, t2, deg2)
    return gg_pad[:n_nodes]

# --- scband reference (transcript-rebuilt; emitter-appended) ---
"""Pipeline reference for scband-g2-5858335391827 (READ-ONLY COPY).

The authoritative reference and input builder live on the scoring server;
editing this copy changes nothing except your own understanding.
"""

import jax, jax.numpy as jnp
import numpy as np

N_NODES = 10000
N_EDGES = 320000
D_FEAT = 128
P = 2.0


def setup_inputs(seed: int = 0):
    key = jax.random.key(seed)
    k1, k2, k3 = jax.random.split(key, 3)
    X = jax.random.normal(k1, (N_NODES, D_FEAT), dtype=jnp.float32)
    edge_index = jax.random.randint(k2, (2, N_EDGES), 0, N_NODES)
    W = jax.random.normal(k3, (D_FEAT, D_FEAT), dtype=jnp.float32) * (1.0 / np.sqrt(D_FEAT))
    return {"X": X, "edge_index": edge_index, "W": W}


def reference(X, edge_index, W):
    n_nodes = X.shape[0]
    row = edge_index[0]
    col = edge_index[1]
    # --- self.conv(X, edge_index) with conv_type='GCN': symmetric-normalized
    # GCN aggregation followed by ReLU activation. The original module computes
    # X_agg but never uses it in the returned value; we compute it for
    # faithfulness to the original forward.
    deg = jnp.zeros((n_nodes,), X.dtype).at[row].add(1.0)
    deg_inv_sqrt = jnp.where(deg > 0, 1.0 / jnp.sqrt(jnp.maximum(deg, 1.0)), 0.0)
    Xw = X @ W
    norm = deg_inv_sqrt[row] * deg_inv_sqrt[col]
    msgs = Xw[col] * norm[:, None]              # gather (edge-wise)
    agg = jnp.zeros_like(Xw).at[row].add(msgs)  # scatter-add
    X_agg = jax.nn.relu(agg)                    # unused downstream, as in original
    # --- G2 gating value
    diff = jnp.sum(jnp.abs(X[row] - X[col]) ** P, axis=-1)   # gather + p-norm per edge
    sums = jnp.zeros((n_nodes,), diff.dtype).at[row].add(diff)   # scatter-add
    counts = jnp.zeros((n_nodes,), diff.dtype).at[row].add(1.0)
    gg = jnp.where(counts > 0, sums / jnp.maximum(counts, 1.0), 0.0)  # scatter mean
    gg = jnp.tanh(gg)
    return gg

if __name__ == "__main__":
    import jax
    _d = setup_inputs()
    print(jax.jit(kernel)(*tuple(_d.values())))

</pallas_src>

<mosaic_0001>
#map = affine_map<(d0, d1) -> (0, 0)>
#map1 = affine_map<(d0, d1) -> (0)>
#map2 = affine_map<(d0, d1) -> (0, 0, 0)>
module attributes {stable_mosaic.version = 14 : i64} {
  func.func @_sc_body(%arg0: i32, %arg1: i32, %arg2: memref<10240x128xf32, #tpu.memory_space<hbm>>, %arg3: memref<10240xf32, #tpu.memory_space<hbm>>, %arg4: memref<320000xi32, #tpu.memory_space<hbm>>, %arg5: memref<320000xi32, #tpu.memory_space<hbm>>, %arg6: memref<640x128xf32, #tpu.memory_space<hbm>>, %arg7: memref<2x10240x128xf32, #tpu.memory_space<hbm>>, %arg8: memref<2x10240xf32, #tpu.memory_space<hbm>>, %arg9: memref<2x10240xf32, #tpu.memory_space<hbm>>, %arg10: memref<2000xi32, #tpu.memory_space<vmem>>, %arg11: memref<2000xi32, #tpu.memory_space<vmem>>, %arg12: memref<80xi32, #tpu.memory_space<vmem>>, %arg13: memref<80xi32, #tpu.memory_space<vmem>>, %arg14: memref<80xi32, #tpu.memory_space<vmem>>, %arg15: memref<80xi32, #tpu.memory_space<vmem>>, %arg16: memref<80xi32, #tpu.memory_space<vmem>>, %arg17: memref<80xi32, #tpu.memory_space<vmem>>, %arg18: memref<80x128xf32, #tpu.memory_space<vmem>>, %arg19: memref<80x128xf32, #tpu.memory_space<vmem>>, %arg20: memref<80x128xf32, #tpu.memory_space<vmem>>, %arg21: memref<80xf32, #tpu.memory_space<vmem>>, %arg22: memref<80xf32, #tpu.memory_space<vmem>>, %arg23: memref<80xf32, #tpu.memory_space<vmem>>, %arg24: memref<80xf32, #tpu.memory_space<vmem>>, %arg25: memref<640xf32, #tpu.memory_space<vmem>>, %arg26: memref<10240x128xf32, #tpu.memory_space<vmem_shared>>, %arg27: memref<10240xf32, #tpu.memory_space<vmem_shared>>, %arg28: memref<10240xf32, #tpu.memory_space<vmem_shared>>, %arg29: memref<!tpu.dma_semaphore, #tpu.memory_space<semaphore_mem>>, %arg30: memref<!tpu.dma_semaphore, #tpu.memory_space<semaphore_mem>>, %arg31: memref<!tpu.dma_semaphore, #tpu.memory_space<semaphore_mem>>, %arg32: memref<!tpu.dma_semaphore, #tpu.memory_space<semaphore_mem>>, %arg33: memref<!tpu.dma_semaphore, #tpu.memory_space<semaphore_mem>>, %arg34: memref<!tpu.dma_semaphore, #tpu.memory_space<semaphore_mem>>, %arg35: memref<!tpu.dma_semaphore, #tpu.memory_space<semaphore_mem>>, %arg36: memref<!tpu.dma_semaphore, #tpu.memory_space<semaphore_mem>>, %arg37: memref<!tpu.dma_semaphore, #tpu.memory_space<semaphore_mem>>, %arg38: memref<!tpu.dma_semaphore, #tpu.memory_space<semaphore_mem>>, %arg39: memref<!tpu.dma_semaphore, #tpu.memory_space<semaphore_mem>>, %arg40: memref<!tpu.dma_semaphore, #tpu.memory_space<semaphore_mem>>, %arg41: memref<!tpu.dma_semaphore, #tpu.memory_space<semaphore_mem>>, %arg42: memref<!tpu.dma_semaphore, #tpu.memory_space<semaphore_mem>>, %arg43: memref<!tpu.dma_semaphore, #tpu.memory_space<semaphore_mem>>) attributes {dimension_semantics = [#tpu.dimension_semantics<core_parallel>, #tpu.dimension_semantics<subcore_parallel>], iteration_bounds = array<i64: 2, 16>, scalar_prefetch = 0 : i64, scratch_operands = 34 : i64, tpu.core_type = #tpu.core_type<sc_vector_subcore>, window_params = [{transform_indices = #map}, {transform_indices = #map1}, {transform_indices = #map1}, {transform_indices = #map1}, {transform_indices = #map}, {transform_indices = #map2}, {transform_indices = #map}, {transform_indices = #map}]} {
    %mul3A = arith.constant 2 : i32
    %mul3A_0 = arith.muli %arg1, %mul3A : i32
    %add3A = arith.addi %mul3A_0, %arg0 : i32
    %scan3A = arith.constant 0 : i32
    %scan3A_1 = arith.constant 0 : i32
    %scan3A_2 = arith.constant 4 : i32
    %scan3A_3 = arith.addi %scan3A_1, %scan3A_2 : i32
    %scan3A_4 = arith.constant 4 : i32
    %scan3A_5 = scf.for %scan3A_326 = %scan3A_1 to %scan3A_3 step %scan3A_4 iter_args(%scan3A_327 = %scan3A) -> (i32)  : i32 {
      %broadcast_in_dim3A_328 = arith.constant 1.000000e+00 : f32
      %broadcast_in_dim3A_329 = vector.broadcast %broadcast_in_dim3A_328 : f32 to vector<16xf32>
      %mul3A_330 = arith.constant 16 : i32
      %mul3A_331 = arith.muli %scan3A_326, %mul3A_330 : i32
      %swap3A_332 = arith.index_cast %mul3A_331 : i32 to index
      %swap3A_333 = tpu.vector_load %arg24[%swap3A_332] {strides = array<i32>} : memref<80xf32, #tpu.memory_space<vmem>>, vector<16xf32>,
      %swap3A_334 = vector.shape_cast %swap3A_333 : vector<16xf32> to vector<16xf32>
      %swap3A_335 = vector.shape_cast %broadcast_in_dim3A_329 : vector<16xf32> to vector<16xf32>
      tpu.vector_store %arg24[%swap3A_332], %swap3A_335 {strides = array<i32>} : memref<80xf32, #tpu.memory_space<vmem>>, vector<16xf32>,
      %scan3A_336 = arith.constant 0 : i32
      %scan3A_337 = arith.constant 1 : i32
      %scan3A_338 = arith.addi %scan3A_326, %scan3A_337 : i32
      %broadcast_in_dim3A_339 = arith.constant 1.000000e+00 : f32
      %broadcast_in_dim3A_340 = vector.broadcast %broadcast_in_dim3A_339 : f32 to vector<16xf32>
      %mul3A_341 = arith.constant 16 : i32
      %mul3A_342 = arith.muli %scan3A_338, %mul3A_341 : i32
      %swap3A_343 = arith.index_cast %mul3A_342 : i32 to index
      %swap3A_344 = tpu.vector_load %arg24[%swap3A_343] {strides = array<i32>} : memref<80xf32, #tpu.memory_space<vmem>>, vector<16xf32>,
      %swap3A_345 = vector.shape_cast %swap3A_344 : vector<16xf32> to vector<16xf32>
      %swap3A_346 = vector.shape_cast %broadcast_in_dim3A_340 : vector<16xf32> to vector<16xf32>
      tpu.vector_store %arg24[%swap3A_343], %swap3A_346 {strides = array<i32>} : memref<80xf32, #tpu.memory_space<vmem>>, vector<16xf32>,
      %scan3A_347 = arith.constant 0 : i32
      %scan3A_348 = arith.constant 2 : i32
      %scan3A_349 = arith.addi %scan3A_326, %scan3A_348 : i32
      %broadcast_in_dim3A_350 = arith.constant 1.000000e+00 : f32
      %broadcast_in_dim3A_351 = vector.broadcast %broadcast_in_dim3A_350 : f32 to vector<16xf32>
      %mul3A_352 = arith.constant 16 : i32
      %mul3A_353 = arith.muli %scan3A_349, %mul3A_352 : i32
      %swap3A_354 = arith.index_cast %mul3A_353 : i32 to index
      %swap3A_355 = tpu.vector_load %arg24[%swap3A_354] {strides = array<i32>} : memref<80xf32, #tpu.memory_space<vmem>>, vector<16xf32>,
      %swap3A_356 = vector.shape_cast %swap3A_355 : vector<16xf32> to vector<16xf32>
      %swap3A_357 = vector.shape_cast %broadcast_in_dim3A_351 : vector<16xf32> to vector<16xf32>
      tpu.vector_store %arg24[%swap3A_354], %swap3A_357 {strides = array<i32>} : memref<80xf32, #tpu.memory_space<vmem>>, vector<16xf32>,
      %scan3A_358 = arith.constant 0 : i32
      %scan3A_359 = arith.constant 3 : i32
      %scan3A_360 = arith.addi %scan3A_326, %scan3A_359 : i32
      %broadcast_in_dim3A_361 = arith.constant 1.000000e+00 : f32
      %broadcast_in_dim3A_362 = vector.broadcast %broadcast_in_dim3A_361 : f32 to vector<16xf32>
      %mul3A_363 = arith.constant 16 : i32
      %mul3A_364 = arith.muli %scan3A_360, %mul3A_363 : i32
      %swap3A_365 = arith.index_cast %mul3A_364 : i32 to index
      %swap3A_366 = tpu.vector_load %arg24[%swap3A_365] {strides = array<i32>} : memref<80xf32, #tpu.memory_space<vmem>>, vector<16xf32>,
      %swap3A_367 = vector.shape_cast %swap3A_366 : vector<16xf32> to vector<16xf32>
      %swap3A_368 = vector.shape_cast %broadcast_in_dim3A_362 : vector<16xf32> to vector<16xf32>
      tpu.vector_store %arg24[%swap3A_365], %swap3A_368 {strides = array<i32>} : memref<80xf32, #tpu.memory_space<vmem>>, vector<16xf32>,
      %scan3A_369 = arith.constant 0 : i32
      scf.yield %scan3A_369 : i32
    }
    %scan3A_6 = arith.constant 4 : i32
    %scan3A_7 = arith.addi %scan3A_1, %scan3A_6 : i32
    %broadcast_in_dim3A = arith.constant 1.000000e+00 : f32
    %broadcast_in_dim3A_8 = vector.broadcast %broadcast_in_dim3A : f32 to vector<16xf32>
    %mul3A_9 = arith.constant 16 : i32
    %mul3A_10 = arith.muli %scan3A_7, %mul3A_9 : i32
    %swap3A = arith.index_cast %mul3A_10 : i32 to index
    %swap3A_11 = tpu.vector_load %arg24[%swap3A] {strides = array<i32>} : memref<80xf32, #tpu.memory_space<vmem>>, vector<16xf32>,
    %swap3A_12 = vector.shape_cast %swap3A_11 : vector<16xf32> to vector<16xf32>
    %swap3A_13 = vector.shape_cast %broadcast_in_dim3A_8 : vector<16xf32> to vector<16xf32>
    tpu.vector_store %arg24[%swap3A], %swap3A_13 {strides = array<i32>} : memref<80xf32, #tpu.memory_space<vmem>>, vector<16xf32>,
    %scan3A_14 = arith.constant 0 : i32
    %scan3A_15 = arith.constant 5 : i32
    %scan3A_16 = arith.constant 0 : i32
    %scan3A_17 = arith.constant 0 : i32
    %scan3A_18 = arith.constant 40 : i32
    %scan3A_19 = arith.addi %scan3A_17, %scan3A_18 : i32
    %scan3A_20 = arith.constant 4 : i32
    %scan3A_21 = scf.for %scan3A_326 = %scan3A_17 to %scan3A_19 step %scan3A_20 iter_args(%scan3A_327 = %scan3A_16) -> (i32)  : i32 {
      %broadcast_in_dim3A_328 = arith.constant 0.000000e+00 : f32
      %broadcast_in_dim3A_329 = vector.broadcast %broadcast_in_dim3A_328 : f32 to vector<16xf32>
      %mul3A_330 = arith.constant 16 : i32
      %mul3A_331 = arith.muli %scan3A_326, %mul3A_330 : i32
      %swap3A_332 = arith.index_cast %mul3A_331 : i32 to index
      %swap3A_333 = tpu.vector_load %arg25[%swap3A_332] {strides = array<i32>} : memref<640xf32, #tpu.memory_space<vmem>>, vector<16xf32>,
      %swap3A_334 = vector.shape_cast %swap3A_333 : vector<16xf32> to vector<16xf32>
      %swap3A_335 = vector.shape_cast %broadcast_in_dim3A_329 : vector<16xf32> to vector<16xf32>
      tpu.vector_store %arg25[%swap3A_332], %swap3A_335 {strides = array<i32>} : memref<640xf32, #tpu.memory_space<vmem>>, vector<16xf32>,
      %scan3A_336 = arith.constant 0 : i32
      %scan3A_337 = arith.constant 1 : i32
      %scan3A_338 = arith.addi %scan3A_326, %scan3A_337 : i32
      %broadcast_in_dim3A_339 = arith.constant 0.000000e+00 : f32
      %broadcast_in_dim3A_340 = vector.broadcast %broadcast_in_dim3A_339 : f32 to vector<16xf32>
      %mul3A_341 = arith.constant 16 : i32
      %mul3A_342 = arith.muli %scan3A_338, %mul3A_341 : i32
      %swap3A_343 = arith.index_cast %mul3A_342 : i32 to index
      %swap3A_344 = tpu.vector_load %arg25[%swap3A_343] {strides = array<i32>} : memref<640xf32, #tpu.memory_space<vmem>>, vector<16xf32>,
      %swap3A_345 = vector.shape_cast %swap3A_344 : vector<16xf32> to vector<16xf32>
      %swap3A_346 = vector.shape_cast %broadcast_in_dim3A_340 : vector<16xf32> to vector<16xf32>
      tpu.vector_store %arg25[%swap3A_343], %swap3A_346 {strides = array<i32>} : memref<640xf32, #tpu.memory_space<vmem>>, vector<16xf32>,
      %scan3A_347 = arith.constant 0 : i32
      %scan3A_348 = arith.constant 2 : i32
      %scan3A_349 = arith.addi %scan3A_326, %scan3A_348 : i32
      %broadcast_in_dim3A_350 = arith.constant 0.000000e+00 : f32
      %broadcast_in_dim3A_351 = vector.broadcast %broadcast_in_dim3A_350 : f32 to vector<16xf32>
      %mul3A_352 = arith.constant 16 : i32
      %mul3A_353 = arith.muli %scan3A_349, %mul3A_352 : i32
      %swap3A_354 = arith.index_cast %mul3A_353 : i32 to index
      %swap3A_355 = tpu.vector_load %arg25[%swap3A_354] {strides = array<i32>} : memref<640xf32, #tpu.memory_space<vmem>>, vector<16xf32>,
      %swap3A_356 = vector.shape_cast %swap3A_355 : vector<16xf32> to vector<16xf32>
      %swap3A_357 = vector.shape_cast %broadcast_in_dim3A_351 : vector<16xf32> to vector<16xf32>
      tpu.vector_store %arg25[%swap3A_354], %swap3A_357 {strides = array<i32>} : memref<640xf32, #tpu.memory_space<vmem>>, vector<16xf32>,
      %scan3A_358 = arith.constant 0 : i32
      %scan3A_359 = arith.constant 3 : i32
      %scan3A_360 = arith.addi %scan3A_326, %scan3A_359 : i32
      %broadcast_in_dim3A_361 = arith.constant 0.000000e+00 : f32
      %broadcast_in_dim3A_362 = vector.broadcast %broadcast_in_dim3A_361 : f32 to vector<16xf32>
      %mul3A_363 = arith.constant 16 : i32
      %mul3A_364 = arith.muli %scan3A_360, %mul3A_363 : i32
      %swap3A_365 = arith.index_cast %mul3A_364 : i32 to index
      %swap3A_366 = tpu.vector_load %arg25[%swap3A_365] {strides = array<i32>} : memref<640xf32, #tpu.memory_space<vmem>>, vector<16xf32>,
      %swap3A_367 = vector.shape_cast %swap3A_366 : vector<16xf32> to vector<16xf32>
      %swap3A_368 = vector.shape_cast %broadcast_in_dim3A_362 : vector<16xf32> to vector<16xf32>
      tpu.vector_store %arg25[%swap3A_365], %swap3A_368 {strides = array<i32>} : memref<640xf32, #tpu.memory_space<vmem>>, vector<16xf32>,
      %scan3A_369 = arith.constant 0 : i32
      scf.yield %scan3A_369 : i32
    }
    %scan3A_22 = arith.constant 40 : i32
    %mul3A_23 = arith.constant 640 : i32
    %mul3A_24 = arith.muli %arg1, %mul3A_23 : i32
    "tpu.region"() ({
      %run_scoped3A = tpu.sem_alloc : memref<!tpu.dma_semaphore, #tpu.memory_space<semaphore_mem>>
      %dma_start3A_326 = arith.constant 0 : i32
      %dma_start3A_327 = tpu.memref_slice %arg26[%mul3A_24, %dma_start3A_326] : memref<10240x128xf32, #tpu.memory_space<vmem_shared>> -> memref<640x128xf32, #tpu.memory_space<vmem_shared>>
      tpu.enqueue_dma source(%arg6 : memref<640x128xf32, #tpu.memory_space<hbm>>) target(%dma_start3A_327 : memref<640x128xf32, #tpu.memory_space<vmem_shared>>) target_semaphore(%run_scoped3A : memref<!tpu.dma_semaphore, #tpu.memory_space<semaphore_mem>>)
      %dma_wait3A_328 = arith.constant 0 : i32
      %dma_wait3A_329 = tpu.memref_slice %arg26[%mul3A_24, %dma_wait3A_328] : memref<10240x128xf32, #tpu.memory_space<vmem_shared>> -> memref<640x128xf32, #tpu.memory_space<vmem_shared>>
      tpu.wait_dma2 semaphore(%run_scoped3A : memref<!tpu.dma_semaphore, #tpu.memory_space<semaphore_mem>>) src(%arg6 : memref<640x128xf32, #tpu.memory_space<hbm>>) dst(%dma_wait3A_329 : memref<640x128xf32, #tpu.memory_space<vmem_shared>>)
      tpu.yield
    }) : () -> ()
    %mul3A_25 = arith.constant 640 : i32
    %mul3A_26 = arith.muli %arg1, %mul3A_25 : i32
    "tpu.region"() ({
      %run_scoped3A = tpu.sem_alloc : memref<!tpu.dma_semaphore, #tpu.memory_space<semaphore_mem>>
      %dma_start3A_326 = tpu.memref_slice %arg27[%mul3A_26] : memref<10240xf32, #tpu.memory_space<vmem_shared>> -> memref<640xf32, #tpu.memory_space<vmem_shared>>
      %dma_start3A_327 = tpu.memref_slice %arg27[%mul3A_26] : memref<10240xf32, #tpu.memory_space<vmem_shared>> -> memref<640xf32, #tpu.memory_space<vmem_shared>>
      tpu.enqueue_dma source(%arg25 : memref<640xf32, #tpu.memory_space<vmem>>) target(%dma_start3A_327 : memref<640xf32, #tpu.memory_space<vmem_shared>>) target_semaphore(%run_scoped3A : memref<!tpu.dma_semaphore, #tpu.memory_space<semaphore_mem>>)
      %dma_wait3A_328 = tpu.memref_slice %arg27[%mul3A_26] : memref<10240xf32, #tpu.memory_space<vmem_shared>> -> memref<640xf32, #tpu.memory_space<vmem_shared>>
      %dma_wait3A_329 = tpu.memref_slice %arg27[%mul3A_26] : memref<10240xf32, #tpu.memory_space<vmem_shared>> -> memref<640xf32, #tpu.memory_space<vmem_shared>>
      tpu.wait_dma2 semaphore(%run_scoped3A : memref<!tpu.dma_semaphore, #tpu.memory_space<semaphore_mem>>) src(%arg25 : memref<640xf32, #tpu.memory_space<vmem>>) dst(%dma_wait3A_329 : memref<640xf32, #tpu.memory_space<vmem_shared>>)
      tpu.yield
    }) : () -> ()
    %mul3A_27 = arith.constant 640 : i32
    %mul3A_28 = arith.muli %arg1, %mul3A_27 : i32
    "tpu.region"() ({
      %run_scoped3A = tpu.sem_alloc : memref<!tpu.dma_semaphore, #tpu.memory_space<semaphore_mem>>
      %dma_start3A_326 = tpu.memref_slice %arg28[%mul3A_28] : memref<10240xf32, #tpu.memory_space<vmem_shared>> -> memref<640xf32, #tpu.memory_space<vmem_shared>>
      %dma_start3A_327 = tpu.memref_slice %arg28[%mul3A_28] : memref<10240xf32, #tpu.memory_space<vmem_shared>> -> memref<640xf32, #tpu.memory_space<vmem_shared>>
      tpu.enqueue_dma source(%arg25 : memref<640xf32, #tpu.memory_space<vmem>>) target(%dma_start3A_327 : memref<640xf32, #tpu.memory_space<vmem_shared>>) target_semaphore(%run_scoped3A : memref<!tpu.dma_semaphore, #tpu.memory_space<semaphore_mem>>)
      %dma_wait3A_328 = tpu.memref_slice %arg28[%mul3A_28] : memref<10240xf32, #tpu.memory_space<vmem_shared>> -> memref<640xf32, #tpu.memory_space<vmem_shared>>
      %dma_wait3A_329 = tpu.memref_slice %arg28[%mul3A_28] : memref<10240xf32, #tpu.memory_space<vmem_shared>> -> memref<640xf32, #tpu.memory_space<vmem_shared>>
      tpu.wait_dma2 semaphore(%run_scoped3A : memref<!tpu.dma_semaphore, #tpu.memory_space<semaphore_mem>>) src(%arg25 : memref<640xf32, #tpu.memory_space<vmem>>) dst(%dma_wait3A_329 : memref<640xf32, #tpu.memory_space<vmem_shared>>)
      tpu.yield
    }) : () -> ()
    %barrier3A = arith.constant 0 : index
    tpu.barrier barrier_id(%barrier3A)
    %mul3A_29 = arith.constant 10000 : i32
    %mul3A_30 = arith.muli %add3A, %mul3A_29 : i32
    %add3A_31 = arith.constant 0 : i32
    %add3A_32 = arith.addi %mul3A_30, %add3A_31 : i32
    "tpu.region"() ({
      %run_scoped3A = tpu.sem_alloc : memref<!tpu.dma_semaphore, #tpu.memory_space<semaphore_mem>>
      %dma_start3A_326 = tpu.memref_slice %arg4[%add3A_32] : memref<320000xi32, #tpu.memory_space<hbm>> -> memref<2000xi32, #tpu.memory_space<hbm>>
      %dma_start3A_327 = tpu.memref_slice %arg4[%add3A_32] : memref<320000xi32, #tpu.memory_space<hbm>> -> memref<2000xi32, #tpu.memory_space<hbm>>
      tpu.enqueue_dma source(%dma_start3A_327 : memref<2000xi32, #tpu.memory_space<hbm>>) target(%arg10 : memref<2000xi32, #tpu.memory_space<vmem>>) target_semaphore(%run_scoped3A : memref<!tpu.dma_semaphore, #tpu.memory_space<semaphore_mem>>)
      %dma_wait3A_328 = tpu.memref_slice %arg4[%add3A_32] : memref<320000xi32, #tpu.memory_space<hbm>> -> memref<2000xi32, #tpu.memory_space<hbm>>
      %dma_wait3A_329 = tpu.memref_slice %arg4[%add3A_32] : memref<320000xi32, #tpu.memory_space<hbm>> -> memref<2000xi32, #tpu.memory_space<hbm>>
      tpu.wait_dma2 semaphore(%run_scoped3A : memref<!tpu.dma_semaphore, #tpu.memory_space<semaphore_mem>>) src(%dma_wait3A_329 : memref<2000xi32, #tpu.memory_space<hbm>>) dst(%arg10 : memref<2000xi32, #tpu.memory_space<vmem>>)
      tpu.yield
    }) : () -> ()
    "tpu.region"() ({
      %run_scoped3A = tpu.sem_alloc : memref<!tpu.dma_semaphore, #tpu.memory_space<semaphore_mem>>
      %dma_start3A_326 = tpu.memref_slice %arg5[%add3A_32] : memref<320000xi32, #tpu.memory_space<hbm>> -> memref<2000xi32, #tpu.memory_space<hbm>>
      %dma_start3A_327 = tpu.memref_slice %arg5[%add3A_32] : memref<320000xi32, #tpu.memory_space<hbm>> -> memref<2000xi32, #tpu.memory_space<hbm>>
      tpu.enqueue_dma source(%dma_start3A_327 : memref<2000xi32, #tpu.memory_space<hbm>>) target(%arg11 : memref<2000xi32, #tpu.memory_space<vmem>>) target_semaphore(%run_scoped3A : memref<!tpu.dma_semaphore, #tpu.memory_space<semaphore_mem>>)
      %dma_wait3A_328 = tpu.memref_slice %arg5[%add3A_32] : memref<320000xi32, #tpu.memory_space<hbm>> -> memref<2000xi32, #tpu.memory_space<hbm>>
      %dma_wait3A_329 = tpu.memref_slice %arg5[%add3A_32] : memref<320000xi32, #tpu.memory_space<hbm>> -> memref<2000xi32, #tpu.memory_space<hbm>>
      tpu.wait_dma2 semaphore(%run_scoped3A : memref<!tpu.dma_semaphore, #tpu.memory_space<semaphore_mem>>) src(%dma_wait3A_329 : memref<2000xi32, #tpu.memory_space<hbm>>) dst(%arg11 : memref<2000xi32, #tpu.memory_space<vmem>>)
      tpu.yield
    }) : () -> ()
    %scan3A_33 = arith.constant 0 : i32
    %scan3A_34 = arith.constant 0 : i32
    %mul3A_35 = arith.constant 16 : i32
    %mul3A_36 = arith.muli %scan3A_34, %mul3A_35 : i32
    %mul3A_37 = arith.constant 16 : i32
    %mul3A_38 = arith.muli %scan3A_34, %mul3A_37 : i32
    %add3A_39 = arith.constant 0 : i32
    %add3A_40 = arith.addi %add3A_39, %mul3A_38 : i32
    %get3A = arith.index_cast %add3A_40 : i32 to index
    %get3A_41 = tpu.vector_load %arg10[%get3A] {strides = array<i32>} : memref<2000xi32, #tpu.memory_space<vmem>>, vector<16xi32>,
    %get3A_42 = vector.shape_cast %get3A_41 : vector<16xi32> to vector<16xi32>
    %swap3A_43 = arith.index_cast %mul3A_36 : i32 to index
    %swap3A_44 = tpu.vector_load %arg12[%swap3A_43] {strides = array<i32>} : memref<80xi32, #tpu.memory_space<vmem>>, vector<16xi32>,
    %swap3A_45 = vector.shape_cast %swap3A_44 : vector<16xi32> to vector<16xi32>
    %swap3A_46 = vector.shape_cast %get3A_42 : vector<16xi32> to vector<16xi32>
    tpu.vector_store %arg12[%swap3A_43], %swap3A_46 {strides = array<i32>} : memref<80xi32, #tpu.memory_space<vmem>>, vector<16xi32>,
    %get3A_47 = arith.index_cast %add3A_40 : i32 to index
    %get3A_48 = tpu.vector_load %arg11[%get3A_47] {strides = array<i32>} : memref<2000xi32, #tpu.memory_space<vmem>>, vector<16xi32>,
    %get3A_49 = vector.shape_cast %get3A_48 : vector<16xi32> to vector<16xi32>
    %swap3A_50 = arith.index_cast %mul3A_36 : i32 to index
    %swap3A_51 = tpu.vector_load %arg15[%swap3A_50] {strides = array<i32>} : memref<80xi32, #tpu.memory_space<vmem>>, vector<16xi32>,
    %swap3A_52 = vector.shape_cast %swap3A_51 : vector<16xi32> to vector<16xi32>
    %swap3A_53 = vector.shape_cast %get3A_49 : vector<16xi32> to vector<16xi32>
    tpu.vector_store %arg15[%swap3A_50], %swap3A_53 {strides = array<i32>} : memref<80xi32, #tpu.memory_space<vmem>>, vector<16xi32>,
    %scan3A_54 = arith.constant 0 : i32
    %scan3A_55 = arith.constant 1 : i32
    %mul3A_56 = arith.constant 16 : i32
    %mul3A_57 = arith.muli %scan3A_55, %mul3A_56 : i32
    %mul3A_58 = arith.constant 16 : i32
    %mul3A_59 = arith.muli %scan3A_55, %mul3A_58 : i32
    %add3A_60 = arith.constant 0 : i32
    %add3A_61 = arith.addi %add3A_60, %mul3A_59 : i32
    %get3A_62 = arith.index_cast %add3A_61 : i32 to index
    %get3A_63 = tpu.vector_load %arg10[%get3A_62] {strides = array<i32>} : memref<2000xi32, #tpu.memory_space<vmem>>, vector<16xi32>,
    %get3A_64 = vector.shape_cast %get3A_63 : vector<16xi32> to vector<16xi32>
    %swap3A_65 = arith.index_cast %mul3A_57 : i32 to index
    %swap3A_66 = tpu.vector_load %arg12[%swap3A_65] {strides = array<i32>} : memref<80xi32, #tpu.memory_space<vmem>>, vector<16xi32>,
    %swap3A_67 = vector.shape_cast %swap3A_66 : vector<16xi32> to vector<16xi32>
    %swap3A_68 = vector.shape_cast %get3A_64 : vector<16xi32> to vector<16xi32>
    tpu.vector_store %arg12[%swap3A_65], %swap3A_68 {strides = array<i32>} : memref<80xi32, #tpu.memory_space<vmem>>, vector<16xi32>,
    %get3A_69 = arith.index_cast %add3A_61 : i32 to index
    %get3A_70 = tpu.vector_load %arg11[%get3A_69] {strides = array<i32>} : memref<2000xi32, #tpu.memory_space<vmem>>, vector<16xi32>,
    %get3A_71 = vector.shape_cast %get3A_70 : vector<16xi32> to vector<16xi32>
    %swap3A_72 = arith.index_cast %mul3A_57 : i32 to index
    %swap3A_73 = tpu.vector_load %arg15[%swap3A_72] {strides = array<i32>} : memref<80xi32, #tpu.memory_space<vmem>>, vector<16xi32>,
    %swap3A_74 = vector.shape_cast %swap3A_73 : vector<16xi32> to vector<16xi32>
    %swap3A_75 = vector.shape_cast %get3A_71 : vector<16xi32> to vector<16xi32>
    tpu.vector_store %arg15[%swap3A_72], %swap3A_75 {strides = array<i32>} : memref<80xi32, #tpu.memory_space<vmem>>, vector<16xi32>,
    %scan3A_76 = arith.constant 0 : i32
    %scan3A_77 = arith.constant 2 : i32
    %mul3A_78 = arith.constant 16 : i32
    %mul3A_79 = arith.muli %scan3A_77, %mul3A_78 : i32
    %mul3A_80 = arith.constant 16 : i32
    %mul3A_81 = arith.muli %scan3A_77, %mul3A_80 : i32
    %add3A_82 = arith.constant 0 : i32
    %add3A_83 = arith.addi %add3A_82, %mul3A_81 : i32
    %get3A_84 = arith.index_cast %add3A_83 : i32 to index
    %get3A_85 = tpu.vector_load %arg10[%get3A_84] {strides = array<i32>} : memref<2000xi32, #tpu.memory_space<vmem>>, vector<16xi32>,
    %get3A_86 = vector.shape_cast %get3A_85 : vector<16xi32> to vector<16xi32>
    %swap3A_87 = arith.index_cast %mul3A_79 : i32 to index
    %swap3A_88 = tpu.vector_load %arg12[%swap3A_87] {strides = array<i32>} : memref<80xi32, #tpu.memory_space<vmem>>, vector<16xi32>,
    %swap3A_89 = vector.shape_cast %swap3A_88 : vector<16xi32> to vector<16xi32>
    %swap3A_90 = vector.shape_cast %get3A_86 : vector<16xi32> to vector<16xi32>
    tpu.vector_store %arg12[%swap3A_87], %swap3A_90 {strides = array<i32>} : memref<80xi32, #tpu.memory_space<vmem>>, vector<16xi32>,
    %get3A_91 = arith.index_cast %add3A_83 : i32 to index
    %get3A_92 = tpu.vector_load %arg11[%get3A_91] {strides = array<i32>} : memref<2000xi32, #tpu.memory_space<vmem>>, vector<16xi32>,
    %get3A_93 = vector.shape_cast %get3A_92 : vector<16xi32> to vector<16xi32>
    %swap3A_94 = arith.index_cast %mul3A_79 : i32 to index
    %swap3A_95 = tpu.vector_load %arg15[%swap3A_94] {strides = array<i32>} : memref<80xi32, #tpu.memory_space<vmem>>, vector<16xi32>,
    %swap3A_96 = vector.shape_cast %swap3A_95 : vector<16xi32> to vector<16xi32>
    %swap3A_97 = vector.shape_cast %get3A_93 : vector<16xi32> to vector<16xi32>
    tpu.vector_store %arg15[%swap3A_94], %swap3A_97 {strides = array<i32>} : memref<80xi32, #tpu.memory_space<vmem>>, vector<16xi32>,
    %scan3A_98 = arith.constant 0 : i32
    %scan3A_99 = arith.constant 3 : i32
    %mul3A_100 = arith.constant 16 : i32
    %mul3A_101 = arith.muli %scan3A_99, %mul3A_100 : i32
    %mul3A_102 = arith.constant 16 : i32
    %mul3A_103 = arith.muli %scan3A_99, %mul3A_102 : i32
    %add3A_104 = arith.constant 0 : i32
    %add3A_105 = arith.addi %add3A_104, %mul3A_103 : i32
    %get3A_106 = arith.index_cast %add3A_105 : i32 to index
    %get3A_107 = tpu.vector_load %arg10[%get3A_106] {strides = array<i32>} : memref<2000xi32, #tpu.memory_space<vmem>>, vector<16xi32>,
    %get3A_108 = vector.shape_cast %get3A_107 : vector<16xi32> to vector<16xi32>
    %swap3A_109 = arith.index_cast %mul3A_101 : i32 to index
    %swap3A_110 = tpu.vector_load %arg12[%swap3A_109] {strides = array<i32>} : memref<80xi32, #tpu.memory_space<vmem>>, vector<16xi32>,
    %swap3A_111 = vector.shape_cast %swap3A_110 : vector<16xi32> to vector<16xi32>
    %swap3A_112 = vector.shape_cast %get3A_108 : vector<16xi32> to vector<16xi32>
    tpu.vector_store %arg12[%swap3A_109], %swap3A_112 {strides = array<i32>} : memref<80xi32, #tpu.memory_space<vmem>>, vector<16xi32>,
    %get3A_113 = arith.index_cast %add3A_105 : i32 to index
    %get3A_114 = tpu.vector_load %arg11[%get3A_113] {strides = array<i32>} : memref<2000xi32, #tpu.memory_space<vmem>>, vector<16xi32>,
    %get3A_115 = vector.shape_cast %get3A_114 : vector<16xi32> to vector<16xi32>
    %swap3A_116 = arith.index_cast %mul3A_101 : i32 to index
    %swap3A_117 = tpu.vector_load %arg15[%swap3A_116] {strides = array<i32>} : memref<80xi32, #tpu.memory_space<vmem>>, vector<16xi32>,
    %swap3A_118 = vector.shape_cast %swap3A_117 : vector<16xi32> to vector<16xi32>
    %swap3A_119 = vector.shape_cast %get3A_115 : vector<16xi32> to vector<16xi32>
    tpu.vector_store %arg15[%swap3A_116], %swap3A_119 {strides = array<i32>} : memref<80xi32, #tpu.memory_space<vmem>>, vector<16xi32>,
    %scan3A_120 = arith.constant 0 : i32
    %scan3A_121 = arith.constant 4 : i32
    %mul3A_122 = arith.constant 16 : i32
    %mul3A_123 = arith.muli %scan3A_121, %mul3A_122 : i32
    %mul3A_124 = arith.constant 16 : i32
    %mul3A_125 = arith.muli %scan3A_121, %mul3A_124 : i32
    %add3A_126 = arith.constant 0 : i32
    %add3A_127 = arith.addi %add3A_126, %mul3A_125 : i32
    %get3A_128 = arith.index_cast %add3A_127 : i32 to index
    %get3A_129 = tpu.vector_load %arg10[%get3A_128] {strides = array<i32>} : memref<2000xi32, #tpu.memory_space<vmem>>, vector<16xi32>,
    %get3A_130 = vector.shape_cast %get3A_129 : vector<16xi32> to vector<16xi32>
    %swap3A_131 = arith.index_cast %mul3A_123 : i32 to index
    %swap3A_132 = tpu.vector_load %arg12[%swap3A_131] {strides = array<i32>} : memref<80xi32, #tpu.memory_space<vmem>>, vector<16xi32>,
    %swap3A_133 = vector.shape_cast %swap3A_132 : vector<16xi32> to vector<16xi32>
    %swap3A_134 = vector.shape_cast %get3A_130 : vector<16xi32> to vector<16xi32>
    tpu.vector_store %arg12[%swap3A_131], %swap3A_134 {strides = array<i32>} : memref<80xi32, #tpu.memory_space<vmem>>, vector<16xi32>,
    %get3A_135 = arith.index_cast %add3A_127 : i32 to index
    %get3A_136 = tpu.vector_load %arg11[%get3A_135] {strides = array<i32>} : memref<2000xi32, #tpu.memory_space<vmem>>, vector<16xi32>,
    %get3A_137 = vector.shape_cast %get3A_136 : vector<16xi32> to vector<16xi32>
    %swap3A_138 = arith.index_cast %mul3A_123 : i32 to index
    %swap3A_139 = tpu.vector_load %arg15[%swap3A_138] {strides = array<i32>} : memref<80xi32, #tpu.memory_space<vmem>>, vector<16xi32>,
    %swap3A_140 = vector.shape_cast %swap3A_139 : vector<16xi32> to vector<16xi32>
    %swap3A_141 = vector.shape_cast %get3A_137 : vector<16xi32> to vector<16xi32>
    tpu.vector_store %arg15[%swap3A_138], %swap3A_141 {strides = array<i32>} : memref<80xi32, #tpu.memory_space<vmem>>, vector<16xi32>,
    %scan3A_142 = arith.constant 0 : i32
    %scan3A_143 = arith.constant 5 : i32
    %dma_start3A = arith.constant 0 : i32
    %dma_start3A_144 = arith.constant 0 : i32
    %dma_start3A_145 = tpu.memref_slice %arg2[%dma_start3A, %dma_start3A_144] : memref<10240x128xf32, #tpu.memory_space<hbm>> -> memref<10240x128xf32, #tpu.memory_space<hbm>>
    tpu.enqueue_indirect_dma source(%dma_start3A_145 : memref<10240x128xf32, #tpu.memory_space<hbm>>) target(%arg18 : memref<80x128xf32, #tpu.memory_space<vmem>>) offsets(%arg15 : memref<80xi32, #tpu.memory_space<vmem>>) semaphore(%arg29 : memref<!tpu.dma_semaphore, #tpu.memory_space<semaphore_mem>>)
    %dma_start3A_146 = arith.constant 0 : i32
    %dma_start3A_147 = tpu.memref_slice %arg3[%dma_start3A_146] : memref<10240xf32, #tpu.memory_space<hbm>> -> memref<10240xf32, #tpu.memory_space<hbm>>
    tpu.enqueue_indirect_dma source(%dma_start3A_147 : memref<10240xf32, #tpu.memory_space<hbm>>) target(%arg21 : memref<80xf32, #tpu.memory_space<vmem>>) offsets(%arg15 : memref<80xi32, #tpu.memory_space<vmem>>) semaphore(%arg32 : memref<!tpu.dma_semaphore, #tpu.memory_space<semaphore_mem>>)
    %scan3A_148 = arith.constant 0 : i32
    %scan3A_149 = arith.constant 0 : i32
    %scan3A_150 = arith.constant 41 : i32
    %scan3A_151 = arith.addi %scan3A_149, %scan3A_150 : i32
    %scan3A_152 = arith.constant 1 : i32
    %scan3A_153 = scf.for %scan3A_326 = %scan3A_149 to %scan3A_151 step %scan3A_152 iter_args(%scan3A_327 = %scan3A_148) -> (i32)  : i32 {
      %mul3A_328 = arith.constant 3 : i32
      %mul3A_329 = arith.muli %scan3A_326, %mul3A_328 : i32
      %add3A_330 = arith.constant 0 : i32
      %add3A_331 = arith.addi %mul3A_329, %add3A_330 : i32
      %ge3A = arith.constant 2 : i32
      %ge3A_332 = arith.cmpi sge, %add3A_331, %ge3A : i32
      %convert_element_type3A = arith.extui %ge3A_332 : i1 to i32
      %cond3A = arith.constant 0 : i32
      %cond3A_333 = arith.cmpi ne, %convert_element_type3A, %cond3A : i32
      scf.if %cond3A_333 {
        %dma_wait3A_409 = arith.constant 0 : i32
        %dma_wait3A_410 = arith.constant 0 : i32
        %dma_wait3A_411 = tpu.memref_slice %arg26[%dma_wait3A_409, %dma_wait3A_410] : memref<10240x128xf32, #tpu.memory_space<vmem_shared>> -> memref<10240x128xf32, #tpu.memory_space<vmem_shared>>
        tpu.wait_indirect_dma semaphore(%arg36 : memref<!tpu.dma_semaphore, #tpu.memory_space<semaphore_mem>>) src(%arg19 : memref<80x128xf32, #tpu.memory_space<vmem>>) dst(%dma_wait3A_411 : memref<10240x128xf32, #tpu.memory_space<vmem_shared>>)
        %dma_wait3A_412 = arith.constant 0 : i32
        %dma_wait3A_413 = tpu.memref_slice %arg27[%dma_wait3A_412] : memref<10240xf32, #tpu.memory_space<vmem_shared>> -> memref<10240xf32, #tpu.memory_space<vmem_shared>>
        tpu.wait_indirect_dma semaphore(%arg39 : memref<!tpu.dma_semaphore, #tpu.memory_space<semaphore_mem>>) src(%arg22 : memref<80xf32, #tpu.memory_space<vmem>>) dst(%dma_wait3A_413 : memref<10240xf32, #tpu.memory_space<vmem_shared>>)
        %dma_wait3A_414 = arith.constant 0 : i32
        %dma_wait3A_415 = tpu.memref_slice %arg28[%dma_wait3A_414] : memref<10240xf32, #tpu.memory_space<vmem_shared>> -> memref<10240xf32, #tpu.memory_space<vmem_shared>>
        tpu.wait_indirect_dma semaphore(%arg42 : memref<!tpu.dma_semaphore, #tpu.memory_space<semaphore_mem>>) src(%arg24 : memref<80xf32, #tpu.memory_space<vmem>>) dst(%dma_wait3A_415 : memref<10240xf32, #tpu.memory_space<vmem_shared>>)
      } else {
      }
      %add3A_334 = arith.constant 1 : i32
      %add3A_335 = arith.addi %add3A_331, %add3A_334 : i32
      %lt3A = arith.constant 125 : i32
      %lt3A_336 = arith.cmpi slt, %add3A_335, %lt3A : i32
      %convert_element_type3A_337 = arith.extui %lt3A_336 : i1 to i32
      %cond3A_338 = arith.constant 0 : i32
      %cond3A_339 = arith.cmpi ne, %convert_element_type3A_337, %cond3A_338 : i32
      scf.if %cond3A_339 {
        %add3A_409 = arith.constant 1 : i32
        %add3A_410 = arith.addi %add3A_331, %add3A_409 : i32
        %jit3A = arith.constant 25 : i32
        %eq3A = arith.constant 0 : i32
        %eq3A_411 = arith.cmpi eq, %jit3A, %eq3A : i32
        %jit3A_412 = arith.constant 1 : i32
        %select_n3A = arith.select %eq3A_411, %jit3A_412, %jit3A : i32
        %rem3A = arith.remsi %add3A_410, %select_n3A : i32
        %ne3A = arith.constant 0 : i32
        %ne3A_413 = arith.cmpi ne, %rem3A, %ne3A : i32
        %lt3A_414 = arith.constant 0 : i32
        %lt3A_415 = arith.cmpi slt, %rem3A, %lt3A_414 : i32
        %lt3A_416 = arith.constant 0 : i32
        %lt3A_417 = arith.cmpi slt, %select_n3A, %lt3A_416 : i32
        %ne3A_418 = arith.xori %lt3A_415, %lt3A_417 : i1
        %and3A = arith.andi %ne3A_418, %ne3A_413 : i1
        %add3A_419 = arith.addi %rem3A, %select_n3A : i32
        %select_n3A_420 = arith.select %and3A, %add3A_419, %rem3A : i32
        %eq3A_421 = arith.constant 0 : i32
        %eq3A_422 = arith.cmpi eq, %select_n3A_420, %eq3A_421 : i32
        %convert_element_type3A_423 = arith.extui %eq3A_422 : i1 to i32
        %cond3A_424 = arith.constant 0 : i32
        %cond3A_425 = arith.cmpi ne, %convert_element_type3A_423, %cond3A_424 : i32
        scf.if %cond3A_425 {
          %mul3A_558 = arith.constant 80 : i32
          %mul3A_559 = arith.muli %add3A_410, %mul3A_558 : i32
          %add3A_560 = arith.addi %mul3A_30, %mul3A_559 : i32
          "tpu.region"() ({
            %run_scoped3A = tpu.sem_alloc : memref<!tpu.dma_semaphore, #tpu.memory_space<semaphore_mem>>
            %dma_start3A_561 = tpu.memref_slice %arg4[%add3A_560] : memref<320000xi32, #tpu.memory_space<hbm>> -> memref<2000xi32, #tpu.memory_space<hbm>>
            %dma_start3A_562 = tpu.memref_slice %arg4[%add3A_560] : memref<320000xi32, #tpu.memory_space<hbm>> -> memref<2000xi32, #tpu.memory_space<hbm>>
            tpu.enqueue_dma source(%dma_start3A_562 : memref<2000xi32, #tpu.memory_space<hbm>>) target(%arg10 : memref<2000xi32, #tpu.memory_space<vmem>>) target_semaphore(%run_scoped3A : memref<!tpu.dma_semaphore, #tpu.memory_space<semaphore_mem>>)
            %dma_wait3A_563 = tpu.memref_slice %arg4[%add3A_560] : memref<320000xi32, #tpu.memory_space<hbm>> -> memref<2000xi32, #tpu.memory_space<hbm>>
            %dma_wait3A_564 = tpu.memref_slice %arg4[%add3A_560] : memref<320000xi32, #tpu.memory_space<hbm>> -> memref<2000xi32, #tpu.memory_space<hbm>>
            tpu.wait_dma2 semaphore(%run_scoped3A : memref<!tpu.dma_semaphore, #tpu.memory_space<semaphore_mem>>) src(%dma_wait3A_564 : memref<2000xi32, #tpu.memory_space<hbm>>) dst(%arg10 : memref<2000xi32, #tpu.memory_space<vmem>>)
            tpu.yield
          }) : () -> ()
          "tpu.region"() ({
            %run_scoped3A = tpu.sem_alloc : memref<!tpu.dma_semaphore, #tpu.memory_space<semaphore_mem>>
            %dma_start3A_561 = tpu.memref_slice %arg5[%add3A_560] : memref<320000xi32, #tpu.memory_space<hbm>> -> memref<2000xi32, #tpu.memory_space<hbm>>
            %dma_start3A_562 = tpu.memref_slice %arg5[%add3A_560] : memref<320000xi32, #tpu.memory_space<hbm>> -> memref<2000xi32, #tpu.memory_space<hbm>>
            tpu.enqueue_dma source(%dma_start3A_562 : memref<2000xi32, #tpu.memory_space<hbm>>) target(%arg11 : memref<2000xi32, #tpu.memory_space<vmem>>) target_semaphore(%run_scoped3A : memref<!tpu.dma_semaphore, #tpu.memory_space<semaphore_mem>>)
            %dma_wait3A_563 = tpu.memref_slice %arg5[%add3A_560] : memref<320000xi32, #tpu.memory_space<hbm>> -> memref<2000xi32, #tpu.memory_space<hbm>>
            %dma_wait3A_564 = tpu.memref_slice %arg5[%add3A_560] : memref<320000xi32, #tpu.memory_space<hbm>> -> memref<2000xi32, #tpu.memory_space<hbm>>
            tpu.wait_dma2 semaphore(%run_scoped3A : memref<!tpu.dma_semaphore, #tpu.memory_space<semaphore_mem>>) src(%dma_wait3A_564 : memref<2000xi32, #tpu.memory_space<hbm>>) dst(%arg11 : memref<2000xi32, #tpu.memory_space<vmem>>)
            tpu.yield
          }) : () -> ()
        } else {
        }
        %add3A_426 = arith.constant 1 : i32
        %add3A_427 = arith.addi %add3A_331, %add3A_426 : i32
        %jit3A_428 = arith.constant 25 : i32
        %eq3A_429 = arith.constant 0 : i32
        %eq3A_430 = arith.cmpi eq, %jit3A_428, %eq3A_429 : i32
        %jit3A_431 = arith.constant 1 : i32
        %select_n3A_432 = arith.select %eq3A_430, %jit3A_431, %jit3A_428 : i32
        %rem3A_433 = arith.remsi %add3A_427, %select_n3A_432 : i32
        %ne3A_434 = arith.constant 0 : i32
        %ne3A_435 = arith.cmpi ne, %rem3A_433, %ne3A_434 : i32
        %lt3A_436 = arith.constant 0 : i32
        %lt3A_437 = arith.cmpi slt, %rem3A_433, %lt3A_436 : i32
        %lt3A_438 = arith.constant 0 : i32
        %lt3A_439 = arith.cmpi slt, %select_n3A_432, %lt3A_438 : i32
        %ne3A_440 = arith.xori %lt3A_437, %lt3A_439 : i1
        %and3A_441 = arith.andi %ne3A_440, %ne3A_435 : i1
        %add3A_442 = arith.addi %rem3A_433, %select_n3A_432 : i32
        %select_n3A_443 = arith.select %and3A_441, %add3A_442, %rem3A_433 : i32
        %mul3A_444 = arith.constant 80 : i32
        %mul3A_445 = arith.muli %select_n3A_443, %mul3A_444 : i32
        %scan3A_446 = arith.constant 0 : i32
        %scan3A_447 = arith.constant 0 : i32
        %mul3A_448 = arith.constant 16 : i32
        %mul3A_449 = arith.muli %scan3A_447, %mul3A_448 : i32
        %mul3A_450 = arith.constant 16 : i32
        %mul3A_451 = arith.muli %scan3A_447, %mul3A_450 : i32
        %add3A_452 = arith.addi %mul3A_445, %mul3A_451 : i32
        %get3A_453 = arith.index_cast %add3A_452 : i32 to index
        %get3A_454 = tpu.vector_load %arg10[%get3A_453] {strides = array<i32>} : memref<2000xi32, #tpu.memory_space<vmem>>, vector<16xi32>,
        %get3A_455 = vector.shape_cast %get3A_454 : vector<16xi32> to vector<16xi32>
        %swap3A_456 = arith.index_cast %mul3A_449 : i32 to index
        %swap3A_457 = tpu.vector_load %arg13[%swap3A_456] {strides = array<i32>} : memref<80xi32, #tpu.memory_space<vmem>>, vector<16xi32>,
        %swap3A_458 = vector.shape_cast %swap3A_457 : vector<16xi32> to vector<16xi32>
        %swap3A_459 = vector.shape_cast %get3A_455 : vector<16xi32> to vector<16xi32>
        tpu.vector_store %arg13[%swap3A_456], %swap3A_459 {strides = array<i32>} : memref<80xi32, #tpu.memory_space<vmem>>, vector<16xi32>,
        %get3A_460 = arith.index_cast %add3A_452 : i32 to index
        %get3A_461 = tpu.vector_load %arg11[%get3A_460] {strides = array<i32>} : memref<2000xi32, #tpu.memory_space<vmem>>, vector<16xi32>,
        %get3A_462 = vector.shape_cast %get3A_461 : vector<16xi32> to vector<16xi32>
        %swap3A_463 = arith.index_cast %mul3A_449 : i32 to index
        %swap3A_464 = tpu.vector_load %arg16[%swap3A_463] {strides = array<i32>} : memref<80xi32, #tpu.memory_space<vmem>>, vector<16xi32>,
        %swap3A_465 = vector.shape_cast %swap3A_464 : vector<16xi32> to vector<16xi32>
        %swap3A_466 = vector.shape_cast %get3A_462 : vector<16xi32> to vector<16xi32>
        tpu.vector_store %arg16[%swap3A_463], %swap3A_466 {strides = array<i32>} : memref<80xi32, #tpu.memory_space<vmem>>, vector<16xi32>,
        %scan3A_467 = arith.constant 0 : i32
        %scan3A_468 = arith.constant 1 : i32
        %mul3A_469 = arith.constant 16 : i32
        %mul3A_470 = arith.muli %scan3A_468, %mul3A_469 : i32
        %mul3A_471 = arith.constant 16 : i32
        %mul3A_472 = arith.muli %scan3A_468, %mul3A_471 : i32
        %add3A_473 = arith.addi %mul3A_445, %mul3A_472 : i32
        %get3A_474 = arith.index_cast %add3A_473 : i32 to index
        %get3A_475 = tpu.vector_load %arg10[%get3A_474] {strides = array<i32>} : memref<2000xi32, #tpu.memory_space<vmem>>, vector<16xi32>,
        %get3A_476 = vector.shape_cast %get3A_475 : vector<16xi32> to vector<16xi32>
        %swap3A_477 = arith.index_cast %mul3A_470 : i32 to index
        %swap3A_478 = tpu.vector_load %arg13[%swap3A_477] {strides = array<i32>} : memref<80xi32, #tpu.memory_space<vmem>>, vector<16xi32>,
        %swap3A_479 = vector.shape_cast %swap3A_478 : vector<16xi32> to vector<16xi32>
        %swap3A_480 = vector.shape_cast %get3A_476 : vector<16xi32> to vector<16xi32>
        tpu.vector_store %arg13[%swap3A_477], %swap3A_480 {strides = array<i32>} : memref<80xi32, #tpu.memory_space<vmem>>, vector<16xi32>,
        %get3A_481 = arith.index_cast %add3A_473 : i32 to index
        %get3A_482 = tpu.vector_load %arg11[%get3A_481] {strides = array<i32>} : memref<2000xi32, #tpu.memory_space<vmem>>, vector<16xi32>,
        %get3A_483 = vector.shape_cast %get3A_482 : vector<16xi32> to vector<16xi32>
        %swap3A_484 = arith.index_cast %mul3A_470 : i32 to index
        %swap3A_485 = tpu.vector_load %arg16[%swap3A_484] {strides = array<i32>} : memref<80xi32, #tpu.memory_space<vmem>>, vector<16xi32>,
        %swap3A_486 = vector.shape_cast %swap3A_485 : vector<16xi32> to vector<16xi32>
        %swap3A_487 = vector.shape_cast %get3A_483 : vector<16xi32> to vector<16xi32>
        tpu.vector_store %arg16[%swap3A_484], %swap3A_487 {strides = array<i32>} : memref<80xi32, #tpu.memory_space<vmem>>, vector<16xi32>,
        %scan3A_488 = arith.constant 0 : i32
        %scan3A_489 = arith.constant 2 : i32
        %mul3A_490 = arith.constant 16 : i32
        %mul3A_491 = arith.muli %scan3A_489, %mul3A_490 : i32
        %mul3A_492 = arith.constant 16 : i32
        %mul3A_493 = arith.muli %scan3A_489, %mul3A_492 : i32
        %add3A_494 = arith.addi %mul3A_445, %mul3A_493 : i32
        %get3A_495 = arith.index_cast %add3A_494 : i32 to index
        %get3A_496 = tpu.vector_load %arg10[%get3A_495] {strides = array<i32>} : memref<2000xi32, #tpu.memory_space<vmem>>, vector<16xi32>,
        %get3A_497 = vector.shape_cast %get3A_496 : vector<16xi32> to vector<16xi32>
        %swap3A_498 = arith.index_cast %mul3A_491 : i32 to index
        %swap3A_499 = tpu.vector_load %arg13[%swap3A_498] {strides = array<i32>} : memref<80xi32, #tpu.memory_space<vmem>>, vector<16xi32>,
        %swap3A_500 = vector.shape_cast %swap3A_499 : vector<16xi32> to vector<16xi32>
        %swap3A_501 = vector.shape_cast %get3A_497 : vector<16xi32> to vector<16xi32>
        tpu.vector_store %arg13[%swap3A_498], %swap3A_501 {strides = array<i32>} : memref<80xi32, #tpu.memory_space<vmem>>, vector<16xi32>,
        %get3A_502 = arith.index_cast %add3A_494 : i32 to index
        %get3A_503 = tpu.vector_load %arg11[%get3A_502] {strides = array<i32>} : memref<2000xi32, #tpu.memory_space<vmem>>, vector<16xi32>,
        %get3A_504 = vector.shape_cast %get3A_503 : vector<16xi32> to vector<16xi32>
        %swap3A_505 = arith.index_cast %mul3A_491 : i32 to index
        %swap3A_506 = tpu.vector_load %arg16[%swap3A_505] {strides = array<i32>} : memref<80xi32, #tpu.memory_space<vmem>>, vector<16xi32>,
        %swap3A_507 = vector.shape_cast %swap3A_506 : vector<16xi32> to vector<16xi32>
        %swap3A_508 = vector.shape_cast %get3A_504 : vector<16xi32> to vector<16xi32>
        tpu.vector_store %arg16[%swap3A_505], %swap3A_508 {strides = array<i32>} : memref<80xi32, #tpu.memory_space<vmem>>, vector<16xi32>,
        %scan3A_509 = arith.constant 0 : i32
        %scan3A_510 = arith.constant 3 : i32
        %mul3A_511 = arith.constant 16 : i32
        %mul3A_512 = arith.muli %scan3A_510, %mul3A_511 : i32
        %mul3A_513 = arith.constant 16 : i32
        %mul3A_514 = arith.muli %scan3A_510, %mul3A_513 : i32
        %add3A_515 = arith.addi %mul3A_445, %mul3A_514 : i32
        %get3A_516 = arith.index_cast %add3A_515 : i32 to index
        %get3A_517 = tpu.vector_load %arg10[%get3A_516] {strides = array<i32>} : memref<2000xi32, #tpu.memory_space<vmem>>, vector<16xi32>,
        %get3A_518 = vector.shape_cast %get3A_517 : vector<16xi32> to vector<16xi32>
        %swap3A_519 = arith.index_cast %mul3A_512 : i32 to index
        %swap3A_520 = tpu.vector_load %arg13[%swap3A_519] {strides = array<i32>} : memref<80xi32, #tpu.memory_space<vmem>>, vector<16xi32>,
        %swap3A_521 = vector.shape_cast %swap3A_520 : vector<16xi32> to vector<16xi32>
        %swap3A_522 = vector.shape_cast %get3A_518 : vector<16xi32> to vector<16xi32>
        tpu.vector_store %arg13[%swap3A_519], %swap3A_522 {strides = array<i32>} : memref<80xi32, #tpu.memory_space<vmem>>, vector<16xi32>,
        %get3A_523 = arith.index_cast %add3A_515 : i32 to index
        %get3A_524 = tpu.vector_load %arg11[%get3A_523] {strides = array<i32>} : memref<2000xi32, #tpu.memory_space<vmem>>, vector<16xi32>,
        %get3A_525 = vector.shape_cast %get3A_524 : vector<16xi32> to vector<16xi32>
        %swap3A_526 = arith.index_cast %mul3A_512 : i32 to index
        %swap3A_527 = tpu.vector_load %arg16[%swap3A_526] {strides = array<i32>} : memref<80xi32, #tpu.memory_space<vmem>>, vector<16xi32>,
        %swap3A_528 = vector.shape_cast %swap3A_527 : vector<16xi32> to vector<16xi32>
        %swap3A_529 = vector.shape_cast %get3A_525 : vector<16xi32> to vector<16xi32>
        tpu.vector_store %arg16[%swap3A_526], %swap3A_529 {strides = array<i32>} : memref<80xi32, #tpu.memory_space<vmem>>, vector<16xi32>,
        %scan3A_530 = arith.constant 0 : i32
        %scan3A_531 = arith.constant 4 : i32
        %mul3A_532 = arith.constant 16 : i32
        %mul3A_533 = arith.muli %scan3A_531, %mul3A_532 : i32
        %mul3A_534 = arith.constant 16 : i32
        %mul3A_535 = arith.muli %scan3A_531, %mul3A_534 : i32
        %add3A_536 = arith.addi %mul3A_445, %mul3A_535 : i32
        %get3A_537 = arith.index_cast %add3A_536 : i32 to index
        %get3A_538 = tpu.vector_load %arg10[%get3A_537] {strides = array<i32>} : memref<2000xi32, #tpu.memory_space<vmem>>, vector<16xi32>,
        %get3A_539 = vector.shape_cast %get3A_538 : vector<16xi32> to vector<16xi32>
        %swap3A_540 = arith.index_cast %mul3A_533 : i32 to index
        %swap3A_541 = tpu.vector_load %arg13[%swap3A_540] {strides = array<i32>} : memref<80xi32, #tpu.memory_space<vmem>>, vector<16xi32>,
        %swap3A_542 = vector.shape_cast %swap3A_541 : vector<16xi32> to vector<16xi32>
        %swap3A_543 = vector.shape_cast %get3A_539 : vector<16xi32> to vector<16xi32>
        tpu.vector_store %arg13[%swap3A_540], %swap3A_543 {strides = array<i32>} : memref<80xi32, #tpu.memory_space<vmem>>, vector<16xi32>,
        %get3A_544 = arith.index_cast %add3A_536 : i32 to index
        %get3A_545 = tpu.vector_load %arg11[%get3A_544] {strides = array<i32>} : memref<2000xi32, #tpu.memory_space<vmem>>, vector<16xi32>,
        %get3A_546 = vector.shape_cast %get3A_545 : vector<16xi32> to vector<16xi32>
        %swap3A_547 = arith.index_cast %mul3A_533 : i32 to index
        %swap3A_548 = tpu.vector_load %arg16[%swap3A_547] {strides = array<i32>} : memref<80xi32, #tpu.memory_space<vmem>>, vector<16xi32>,
        %swap3A_549 = vector.shape_cast %swap3A_548 : vector<16xi32> to vector<16xi32>
        %swap3A_550 = vector.shape_cast %get3A_546 : vector<16xi32> to vector<16xi32>
        tpu.vector_store %arg16[%swap3A_547], %swap3A_550 {strides = array<i32>} : memref<80xi32, #tpu.memory_space<vmem>>, vector<16xi32>,
        %scan3A_551 = arith.constant 0 : i32
        %scan3A_552 = arith.constant 5 : i32
        %dma_start3A_553 = arith.constant 0 : i32
        %dma_start3A_554 = arith.constant 0 : i32
        %dma_start3A_555 = tpu.memref_slice %arg2[%dma_start3A_553, %dma_start3A_554] : memref<10240x128xf32, #tpu.memory_space<hbm>> -> memref<10240x128xf32, #tpu.memory_space<hbm>>
        tpu.enqueue_indirect_dma source(%dma_start3A_555 : memref<10240x128xf32, #tpu.memory_space<hbm>>) target(%arg19 : memref<80x128xf32, #tpu.memory_space<vmem>>) offsets(%arg16 : memref<80xi32, #tpu.memory_space<vmem>>) semaphore(%arg30 : memref<!tpu.dma_semaphore, #tpu.memory_space<semaphore_mem>>)
        %dma_start3A_556 = arith.constant 0 : i32
        %dma_start3A_557 = tpu.memref_slice %arg3[%dma_start3A_556] : memref<10240xf32, #tpu.memory_space<hbm>> -> memref<10240xf32, #tpu.memory_space<hbm>>
        tpu.enqueue_indirect_dma source(%dma_start3A_557 : memref<10240xf32, #tpu.memory_space<hbm>>) target(%arg22 : memref<80xf32, #tpu.memory_space<vmem>>) offsets(%arg16 : memref<80xi32, #tpu.memory_space<vmem>>) semaphore(%arg33 : memref<!tpu.dma_semaphore, #tpu.memory_space<semaphore_mem>>)
      } else {
      }
      %dma_wait3A_340 = arith.constant 0 : i32
      %dma_wait3A_341 = arith.constant 0 : i32
      %dma_wait3A_342 = tpu.memref_slice %arg2[%dma_wait3A_340, %dma_wait3A_341] : memref<10240x128xf32, #tpu.memory_space<hbm>> -> memref<10240x128xf32, #tpu.memory_space<hbm>>
      tpu.wait_indirect_dma semaphore(%arg29 : memref<!tpu.dma_semaphore, #tpu.memory_space<semaphore_mem>>) src(%dma_wait3A_342 : memref<10240x128xf32, #tpu.memory_space<hbm>>) dst(%arg18 : memref<80x128xf32, #tpu.memory_space<vmem>>)
      %dma_wait3A_343 = arith.constant 0 : i32
      %dma_wait3A_344 = tpu.memref_slice %arg3[%dma_wait3A_343] : memref<10240xf32, #tpu.memory_space<hbm>> -> memref<10240xf32, #tpu.memory_space<hbm>>
      tpu.wait_indirect_dma semaphore(%arg32 : memref<!tpu.dma_semaphore, #tpu.memory_space<semaphore_mem>>) src(%dma_wait3A_344 : memref<10240xf32, #tpu.memory_space<hbm>>) dst(%arg21 : memref<80xf32, #tpu.memory_space<vmem>>)
      %dma_start3A_345 = arith.constant 0 : i32
      %dma_start3A_346 = arith.constant 0 : i32
      %dma_start3A_347 = tpu.memref_slice %arg26[%dma_start3A_345, %dma_start3A_346] : memref<10240x128xf32, #tpu.memory_space<vmem_shared>> -> memref<10240x128xf32, #tpu.memory_space<vmem_shared>>
      tpu.enqueue_indirect_dma source(%arg18 : memref<80x128xf32, #tpu.memory_space<vmem>>) target(%dma_start3A_347 : memref<10240x128xf32, #tpu.memory_space<vmem_shared>>) offsets(%arg12 : memref<80xi32, #tpu.memory_space<vmem>>) semaphore(%arg35 : memref<!tpu.dma_semaphore, #tpu.memory_space<semaphore_mem>>) {add = true}
      %dma_start3A_348 = arith.constant 0 : i32
      %dma_start3A_349 = tpu.memref_slice %arg27[%dma_start3A_348] : memref<10240xf32, #tpu.memory_space<vmem_shared>> -> memref<10240xf32, #tpu.memory_space<vmem_shared>>
      tpu.enqueue_indirect_dma source(%arg21 : memref<80xf32, #tpu.memory_space<vmem>>) target(%dma_start3A_349 : memref<10240xf32, #tpu.memory_space<vmem_shared>>) offsets(%arg12 : memref<80xi32, #tpu.memory_space<vmem>>) semaphore(%arg38 : memref<!tpu.dma_semaphore, #tpu.memory_space<semaphore_mem>>) {add = true}
      %dma_start3A_350 = arith.constant 0 : i32
      %dma_start3A_351 = tpu.memref_slice %arg28[%dma_start3A_350] : memref<10240xf32, #tpu.memory_space<vmem_shared>> -> memref<10240xf32, #tpu.memory_space<vmem_shared>>
      tpu.enqueue_indirect_dma source(%arg24 : memref<80xf32, #tpu.memory_space<vmem>>) target(%dma_start3A_351 : memref<10240xf32, #tpu.memory_space<vmem_shared>>) offsets(%arg12 : memref<80xi32, #tpu.memory_space<vmem>>) semaphore(%arg41 : memref<!tpu.dma_semaphore, #tpu.memory_space<semaphore_mem>>) {add = true}
      %mul3A_352 = arith.constant 3 : i32
      %mul3A_353 = arith.muli %scan3A_326, %mul3A_352 : i32
      %add3A_354 = arith.constant 1 : i32
      %add3A_355 = arith.addi %mul3A_353, %add3A_354 : i32
      %ge3A_356 = arith.constant 2 : i32
      %ge3A_357 = arith.cmpi sge, %add3A_355, %ge3A_356 : i32
      %convert_element_type3A_358 = arith.extui %ge3A_357 : i1 to i32
      %cond3A_359 = arith.constant 0 : i32
      %cond3A_360 = arith.cmpi ne, %convert_element_type3A_358, %cond3A_359 : i32
      scf.if %cond3A_360 {
        %dma_wait3A_409 = arith.constant 0 : i32
        %dma_wait3A_410 = arith.constant 0 : i32
        %dma_wait3A_411 = tpu.memref_slice %arg26[%dma_wait3A_409, %dma_wait3A_410] : memref<10240x128xf32, #tpu.memory_space<vmem_shared>> -> memref<10240x128xf32, #tpu.memory_space<vmem_shared>>
        tpu.wait_indirect_dma semaphore(%arg37 : memref<!tpu.dma_semaphore, #tpu.memory_space<semaphore_mem>>) src(%arg20 : memref<80x128xf32, #tpu.memory_space<vmem>>) dst(%dma_wait3A_411 : memref<10240x128xf32, #tpu.memory_space<vmem_shared>>)
        %dma_wait3A_412 = arith.constant 0 : i32
        %dma_wait3A_413 = tpu.memref_slice %arg27[%dma_wait3A_412] : memref<10240xf32, #tpu.memory_space<vmem_shared>> -> memref<10240xf32, #tpu.memory_space<vmem_shared>>
        tpu.wait_indirect_dma semaphore(%arg40 : memref<!tpu.dma_semaphore, #tpu.memory_space<semaphore_mem>>) src(%arg23 : memref<80xf32, #tpu.memory_space<vmem>>) dst(%dma_wait3A_413 : memref<10240xf32, #tpu.memory_space<vmem_shared>>)
        %dma_wait3A_414 = arith.constant 0 : i32
        %dma_wait3A_415 = tpu.memref_slice %arg28[%dma_wait3A_414] : memref<10240xf32, #tpu.memory_space<vmem_shared>> -> memref<10240xf32, #tpu.memory_space<vmem_shared>>
        tpu.wait_indirect_dma semaphore(%arg43 : memref<!tpu.dma_semaphore, #tpu.memory_space<semaphore_mem>>) src(%arg24 : memref<80xf32, #tpu.memory_space<vmem>>) dst(%dma_wait3A_415 : memref<10240xf32, #tpu.memory_space<vmem_shared>>)
      } else {
      }
      %add3A_361 = arith.constant 1 : i32
      %add3A_362 = arith.addi %add3A_355, %add3A_361 : i32
      %lt3A_363 = arith.constant 125 : i32
      %lt3A_364 = arith.cmpi slt, %add3A_362, %lt3A_363 : i32
      %convert_element_type3A_365 = arith.extui %lt3A_364 : i1 to i32
      %cond3A_366 = arith.constant 0 : i32
      %cond3A_367 = arith.cmpi ne, %convert_element_type3A_365, %cond3A_366 : i32
      scf.if %cond3A_367 {
        %add3A_409 = arith.constant 1 : i32
        %add3A_410 = arith.addi %add3A_355, %add3A_409 : i32
        %jit3A = arith.constant 25 : i32
        %eq3A = arith.constant 0 : i32
        %eq3A_411 = arith.cmpi eq, %jit3A, %eq3A : i32
        %jit3A_412 = arith.constant 1 : i32
        %select_n3A = arith.select %eq3A_411, %jit3A_412, %jit3A : i32
        %rem3A = arith.remsi %add3A_410, %select_n3A : i32
        %ne3A = arith.constant 0 : i32
        %ne3A_413 = arith.cmpi ne, %rem3A, %ne3A : i32
        %lt3A_414 = arith.constant 0 : i32
        %lt3A_415 = arith.cmpi slt, %rem3A, %lt3A_414 : i32
        %lt3A_416 = arith.constant 0 : i32
        %lt3A_417 = arith.cmpi slt, %select_n3A, %lt3A_416 : i32
        %ne3A_418 = arith.xori %lt3A_415, %lt3A_417 : i1
        %and3A = arith.andi %ne3A_418, %ne3A_413 : i1
        %add3A_419 = arith.addi %rem3A, %select_n3A : i32
        %select_n3A_420 = arith.select %and3A, %add3A_419, %rem3A : i32
        %eq3A_421 = arith.constant 0 : i32
        %eq3A_422 = arith.cmpi eq, %select_n3A_420, %eq3A_421 : i32
        %convert_element_type3A_423 = arith.extui %eq3A_422 : i1 to i32
        %cond3A_424 = arith.constant 0 : i32
        %cond3A_425 = arith.cmpi ne, %convert_element_type3A_423, %cond3A_424 : i32
        scf.if %cond3A_425 {
          %mul3A_558 = arith.constant 80 : i32
          %mul3A_559 = arith.muli %add3A_410, %mul3A_558 : i32
          %add3A_560 = arith.addi %mul3A_30, %mul3A_559 : i32
          "tpu.region"() ({
            %run_scoped3A = tpu.sem_alloc : memref<!tpu.dma_semaphore, #tpu.memory_space<semaphore_mem>>
            %dma_start3A_561 = tpu.memref_slice %arg4[%add3A_560] : memref<320000xi32, #tpu.memory_space<hbm>> -> memref<2000xi32, #tpu.memory_space<hbm>>
            %dma_start3A_562 = tpu.memref_slice %arg4[%add3A_560] : memref<320000xi32, #tpu.memory_space<hbm>> -> memref<2000xi32, #tpu.memory_space<hbm>>
            tpu.enqueue_dma source(%dma_start3A_562 : memref<2000xi32, #tpu.memory_space<hbm>>) target(%arg10 : memref<2000xi32, #tpu.memory_space<vmem>>) target_semaphore(%run_scoped3A : memref<!tpu.dma_semaphore, #tpu.memory_space<semaphore_mem>>)
            %dma_wait3A_563 = tpu.memref_slice %arg4[%add3A_560] : memref<320000xi32, #tpu.memory_space<hbm>> -> memref<2000xi32, #tpu.memory_space<hbm>>
            %dma_wait3A_564 = tpu.memref_slice %arg4[%add3A_560] : memref<320000xi32, #tpu.memory_space<hbm>> -> memref<2000xi32, #tpu.memory_space<hbm>>
            tpu.wait_dma2 semaphore(%run_scoped3A : memref<!tpu.dma_semaphore, #tpu.memory_space<semaphore_mem>>) src(%dma_wait3A_564 : memref<2000xi32, #tpu.memory_space<hbm>>) dst(%arg10 : memref<2000xi32, #tpu.memory_space<vmem>>)
            tpu.yield
          }) : () -> ()
          "tpu.region"() ({
            %run_scoped3A = tpu.sem_alloc : memref<!tpu.dma_semaphore, #tpu.memory_space<semaphore_mem>>
            %dma_start3A_561 = tpu.memref_slice %arg5[%add3A_560] : memref<320000xi32, #tpu.memory_space<hbm>> -> memref<2000xi32, #tpu.memory_space<hbm>>
            %dma_start3A_562 = tpu.memref_slice %arg5[%add3A_560] : memref<320000xi32, #tpu.memory_space<hbm>> -> memref<2000xi32, #tpu.memory_space<hbm>>
            tpu.enqueue_dma source(%dma_start3A_562 : memref<2000xi32, #tpu.memory_space<hbm>>) target(%arg11 : memref<2000xi32, #tpu.memory_space<vmem>>) target_semaphore(%run_scoped3A : memref<!tpu.dma_semaphore, #tpu.memory_space<semaphore_mem>>)
            %dma_wait3A_563 = tpu.memref_slice %arg5[%add3A_560] : memref<320000xi32, #tpu.memory_space<hbm>> -> memref<2000xi32, #tpu.memory_space<hbm>>
            %dma_wait3A_564 = tpu.memref_slice %arg5[%add3A_560] : memref<320000xi32, #tpu.memory_space<hbm>> -> memref<2000xi32, #tpu.memory_space<hbm>>
            tpu.wait_dma2 semaphore(%run_scoped3A : memref<!tpu.dma_semaphore, #tpu.memory_space<semaphore_mem>>) src(%dma_wait3A_564 : memref<2000xi32, #tpu.memory_space<hbm>>) dst(%arg11 : memref<2000xi32, #tpu.memory_space<vmem>>)
            tpu.yield
          }) : () -> ()
        } else {
        }
        %add3A_426 = arith.constant 1 : i32
        %add3A_427 = arith.addi %add3A_355, %add3A_426 : i32
        %jit3A_428 = arith.constant 25 : i32
        %eq3A_429 = arith.constant 0 : i32
        %eq3A_430 = arith.cmpi eq, %jit3A_428, %eq3A_429 : i32
        %jit3A_431 = arith.constant 1 : i32
        %select_n3A_432 = arith.select %eq3A_430, %jit3A_431, %jit3A_428 : i32
        %rem3A_433 = arith.remsi %add3A_427, %select_n3A_432 : i32
        %ne3A_434 = arith.constant 0 : i32
        %ne3A_435 = arith.cmpi ne, %rem3A_433, %ne3A_434 : i32
        %lt3A_436 = arith.constant 0 : i32
        %lt3A_437 = arith.cmpi slt, %rem3A_433, %lt3A_436 : i32
        %lt3A_438 = arith.constant 0 : i32
        %lt3A_439 = arith.cmpi slt, %select_n3A_432, %lt3A_438 : i32
        %ne3A_440 = arith.xori %lt3A_437, %lt3A_439 : i1
        %and3A_441 = arith.andi %ne3A_440, %ne3A_435 : i1
        %add3A_442 = arith.addi %rem3A_433, %select_n3A_432 : i32
        %select_n3A_443 = arith.select %and3A_441, %add3A_442, %rem3A_433 : i32
        %mul3A_444 = arith.constant 80 : i32
        %mul3A_445 = arith.muli %select_n3A_443, %mul3A_444 : i32
        %scan3A_446 = arith.constant 0 : i32
        %scan3A_447 = arith.constant 0 : i32
        %mul3A_448 = arith.constant 16 : i32
        %mul3A_449 = arith.muli %scan3A_447, %mul3A_448 : i32
        %mul3A_450 = arith.constant 16 : i32
        %mul3A_451 = arith.muli %scan3A_447, %mul3A_450 : i32
        %add3A_452 = arith.addi %mul3A_445, %mul3A_451 : i32
        %get3A_453 = arith.index_cast %add3A_452 : i32 to index
        %get3A_454 = tpu.vector_load %arg10[%get3A_453] {strides = array<i32>} : memref<2000xi32, #tpu.memory_space<vmem>>, vector<16xi32>,
        %get3A_455 = vector.shape_cast %get3A_454 : vector<16xi32> to vector<16xi32>
        %swap3A_456 = arith.index_cast %mul3A_449 : i32 to index
        %swap3A_457 = tpu.vector_load %arg14[%swap3A_456] {strides = array<i32>} : memref<80xi32, #tpu.memory_space<vmem>>, vector<16xi32>,
        %swap3A_458 = vector.shape_cast %swap3A_457 : vector<16xi32> to vector<16xi32>
        %swap3A_459 = vector.shape_cast %get3A_455 : vector<16xi32> to vector<16xi32>
        tpu.vector_store %arg14[%swap3A_456], %swap3A_459 {strides = array<i32>} : memref<80xi32, #tpu.memory_space<vmem>>, vector<16xi32>,
        %get3A_460 = arith.index_cast %add3A_452 : i32 to index
        %get3A_461 = tpu.vector_load %arg11[%get3A_460] {strides = array<i32>} : memref<2000xi32, #tpu.memory_space<vmem>>, vector<16xi32>,
        %get3A_462 = vector.shape_cast %get3A_461 : vector<16xi32> to vector<16xi32>
        %swap3A_463 = arith.index_cast %mul3A_449 : i32 to index
        %swap3A_464 = tpu.vector_load %arg17[%swap3A_463] {strides = array<i32>} : memref<80xi32, #tpu.memory_space<vmem>>, vector<16xi32>,
        %swap3A_465 = vector.shape_cast %swap3A_464 : vector<16xi32> to vector<16xi32>
        %swap3A_466 = vector.shape_cast %get3A_462 : vector<16xi32> to vector<16xi32>
        tpu.vector_store %arg17[%swap3A_463], %swap3A_466 {strides = array<i32>} : memref<80xi32, #tpu.memory_space<vmem>>, vector<16xi32>,
        %scan3A_467 = arith.constant 0 : i32
        %scan3A_468 = arith.constant 1 : i32
        %mul3A_469 = arith.constant 16 : i32
        %mul3A_470 = arith.muli %scan3A_468, %mul3A_469 : i32
        %mul3A_471 = arith.constant 16 : i32
        %mul3A_472 = arith.muli %scan3A_468, %mul3A_471 : i32
        %add3A_473 = arith.addi %mul3A_445, %mul3A_472 : i32
        %get3A_474 = arith.index_cast %add3A_473 : i32 to index
        %get3A_475 = tpu.vector_load %arg10[%get3A_474] {strides = array<i32>} : memref<2000xi32, #tpu.memory_space<vmem>>, vector<16xi32>,
        %get3A_476 = vector.shape_cast %get3A_475 : vector<16xi32> to vector<16xi32>
        %swap3A_477 = arith.index_cast %mul3A_470 : i32 to index
        %swap3A_478 = tpu.vector_load %arg14[%swap3A_477] {strides = array<i32>} : memref<80xi32, #tpu.memory_space<vmem>>, vector<16xi32>,
        %swap3A_479 = vector.shape_cast %swap3A_478 : vector<16xi32> to vector<16xi32>
        %swap3A_480 = vector.shape_cast %get3A_476 : vector<16xi32> to vector<16xi32>
        tpu.vector_store %arg14[%swap3A_477], %swap3A_480 {strides = array<i32>} : memref<80xi32, #tpu.memory_space<vmem>>, vector<16xi32>,
        %get3A_481 = arith.index_cast %add3A_473 : i32 to index
        %get3A_482 = tpu.vector_load %arg11[%get3A_481] {strides = array<i32>} : memref<2000xi32, #tpu.memory_space<vmem>>, vector<16xi32>,
        %get3A_483 = vector.shape_cast %get3A_482 : vector<16xi32> to vector<16xi32>
        %swap3A_484 = arith.index_cast %mul3A_470 : i32 to index
        %swap3A_485 = tpu.vector_load %arg17[%swap3A_484] {strides = array<i32>} : memref<80xi32, #tpu.memory_space<vmem>>, vector<16xi32>,
        %swap3A_486 = vector.shape_cast %swap3A_485 : vector<16xi32> to vector<16xi32>
        %swap3A_487 = vector.shape_cast %get3A_483 : vector<16xi32> to vector<16xi32>
        tpu.vector_store %arg17[%swap3A_484], %swap3A_487 {strides = array<i32>} : memref<80xi32, #tpu.memory_space<vmem>>, vector<16xi32>,
        %scan3A_488 = arith.constant 0 : i32
        %scan3A_489 = arith.constant 2 : i32
        %mul3A_490 = arith.constant 16 : i32
        %mul3A_491 = arith.muli %scan3A_489, %mul3A_490 : i32
        %mul3A_492 = arith.constant 16 : i32
        %mul3A_493 = arith.muli %scan3A_489, %mul3A_492 : i32
        %add3A_494 = arith.addi %mul3A_445, %mul3A_493 : i32
        %get3A_495 = arith.index_cast %add3A_494 : i32 to index
        %get3A_496 = tpu.vector_load %arg10[%get3A_495] {strides = array<i32>} : memref<2000xi32, #tpu.memory_space<vmem>>, vector<16xi32>,
        %get3A_497 = vector.shape_cast %get3A_496 : vector<16xi32> to vector<16xi32>
        %swap3A_498 = arith.index_cast %mul3A_491 : i32 to index
        %swap3A_499 = tpu.vector_load %arg14[%swap3A_498] {strides = array<i32>} : memref<80xi32, #tpu.memory_space<vmem>>, vector<16xi32>,
        %swap3A_500 = vector.shape_cast %swap3A_499 : vector<16xi32> to vector<16xi32>
        %swap3A_501 = vector.shape_cast %get3A_497 : vector<16xi32> to vector<16xi32>
        tpu.vector_store %arg14[%swap3A_498], %swap3A_501 {strides = array<i32>} : memref<80xi32, #tpu.memory_space<vmem>>, vector<16xi32>,
        %get3A_502 = arith.index_cast %add3A_494 : i32 to index
        %get3A_503 = tpu.vector_load %arg11[%get3A_502] {strides = array<i32>} : memref<2000xi32, #tpu.memory_space<vmem>>, vector<16xi32>,
        %get3A_504 = vector.shape_cast %get3A_503 : vector<16xi32> to vector<16xi32>
        %swap3A_505 = arith.index_cast %mul3A_491 : i32 to index
        %swap3A_506 = tpu.vector_load %arg17[%swap3A_505] {strides = array<i32>} : memref<80xi32, #tpu.memory_space<vmem>>, vector<16xi32>,
        %swap3A_507 = vector.shape_cast %swap3A_506 : vector<16xi32> to vector<16xi32>
        %swap3A_508 = vector.shape_cast %get3A_504 : vector<16xi32> to vector<16xi32>
        tpu.vector_store %arg17[%swap3A_505], %swap3A_508 {strides = array<i32>} : memref<80xi32, #tpu.memory_space<vmem>>, vector<16xi32>,
        %scan3A_509 = arith.constant 0 : i32
        %scan3A_510 = arith.constant 3 : i32
        %mul3A_511 = arith.constant 16 : i32
        %mul3A_512 = arith.muli %scan3A_510, %mul3A_511 : i32
        %mul3A_513 = arith.constant 16 : i32
        %mul3A_514 = arith.muli %scan3A_510, %mul3A_513 : i32
        %add3A_515 = arith.addi %mul3A_445, %mul3A_514 : i32
        %get3A_516 = arith.index_cast %add3A_515 : i32 to index
        %get3A_517 = tpu.vector_load %arg10[%get3A_516] {strides = array<i32>} : memref<2000xi32, #tpu.memory_space<vmem>>, vector<16xi32>,
        %get3A_518 = vector.shape_cast %get3A_517 : vector<16xi32> to vector<16xi32>
        %swap3A_519 = arith.index_cast %mul3A_512 : i32 to index
        %swap3A_520 = tpu.vector_load %arg14[%swap3A_519] {strides = array<i32>} : memref<80xi32, #tpu.memory_space<vmem>>, vector<16xi32>,
        %swap3A_521 = vector.shape_cast %swap3A_520 : vector<16xi32> to vector<16xi32>
        %swap3A_522 = vector.shape_cast %get3A_518 : vector<16xi32> to vector<16xi32>
        tpu.vector_store %arg14[%swap3A_519], %swap3A_522 {strides = array<i32>} : memref<80xi32, #tpu.memory_space<vmem>>, vector<16xi32>,
        %get3A_523 = arith.index_cast %add3A_515 : i32 to index
        %get3A_524 = tpu.vector_load %arg11[%get3A_523] {strides = array<i32>} : memref<2000xi32, #tpu.memory_space<vmem>>, vector<16xi32>,
        %get3A_525 = vector.shape_cast %get3A_524 : vector<16xi32> to vector<16xi32>
        %swap3A_526 = arith.index_cast %mul3A_512 : i32 to index
        %swap3A_527 = tpu.vector_load %arg17[%swap3A_526] {strides = array<i32>} : memref<80xi32, #tpu.memory_space<vmem>>, vector<16xi32>,
        %swap3A_528 = vector.shape_cast %swap3A_527 : vector<16xi32> to vector<16xi32>
        %swap3A_529 = vector.shape_cast %get3A_525 : vector<16xi32> to vector<16xi32>
        tpu.vector_store %arg17[%swap3A_526], %swap3A_529 {strides = array<i32>} : memref<80xi32, #tpu.memory_space<vmem>>, vector<16xi32>,
        %scan3A_530 = arith.constant 0 : i32
        %scan3A_531 = arith.constant 4 : i32
        %mul3A_532 = arith.constant 16 : i32
        %mul3A_533 = arith.muli %scan3A_531, %mul3A_532 : i32
        %mul3A_534 = arith.constant 16 : i32
        %mul3A_535 = arith.muli %scan3A_531, %mul3A_534 : i32
        %add3A_536 = arith.addi %mul3A_445, %mul3A_535 : i32
        %get3A_537 = arith.index_cast %add3A_536 : i32 to index
        %get3A_538 = tpu.vector_load %arg10[%get3A_537] {strides = array<i32>} : memref<2000xi32, #tpu.memory_space<vmem>>, vector<16xi32>,
        %get3A_539 = vector.shape_cast %get3A_538 : vector<16xi32> to vector<16xi32>
        %swap3A_540 = arith.index_cast %mul3A_533 : i32 to index
        %swap3A_541 = tpu.vector_load %arg14[%swap3A_540] {strides = array<i32>} : memref<80xi32, #tpu.memory_space<vmem>>, vector<16xi32>,
        %swap3A_542 = vector.shape_cast %swap3A_541 : vector<16xi32> to vector<16xi32>
        %swap3A_543 = vector.shape_cast %get3A_539 : vector<16xi32> to vector<16xi32>
        tpu.vector_store %arg14[%swap3A_540], %swap3A_543 {strides = array<i32>} : memref<80xi32, #tpu.memory_space<vmem>>, vector<16xi32>,
        %get3A_544 = arith.index_cast %add3A_536 : i32 to index
        %get3A_545 = tpu.vector_load %arg11[%get3A_544] {strides = array<i32>} : memref<2000xi32, #tpu.memory_space<vmem>>, vector<16xi32>,
        %get3A_546 = vector.shape_cast %get3A_545 : vector<16xi32> to vector<16xi32>
        %swap3A_547 = arith.index_cast %mul3A_533 : i32 to index
        %swap3A_548 = tpu.vector_load %arg17[%swap3A_547] {strides = array<i32>} : memref<80xi32, #tpu.memory_space<vmem>>, vector<16xi32>,
        %swap3A_549 = vector.shape_cast %swap3A_548 : vector<16xi32> to vector<16xi32>
        %swap3A_550 = vector.shape_cast %get3A_546 : vector<16xi32> to vector<16xi32>
        tpu.vector_store %arg17[%swap3A_547], %swap3A_550 {strides = array<i32>} : memref<80xi32, #tpu.memory_space<vmem>>, vector<16xi32>,
        %scan3A_551 = arith.constant 0 : i32
        %scan3A_552 = arith.constant 5 : i32
        %dma_start3A_553 = arith.constant 0 : i32
        %dma_start3A_554 = arith.constant 0 : i32
        %dma_start3A_555 = tpu.memref_slice %arg2[%dma_start3A_553, %dma_start3A_554] : memref<10240x128xf32, #tpu.memory_space<hbm>> -> memref<10240x128xf32, #tpu.memory_space<hbm>>
        tpu.enqueue_indirect_dma source(%dma_start3A_555 : memref<10240x128xf32, #tpu.memory_space<hbm>>) target(%arg20 : memref<80x128xf32, #tpu.memory_space<vmem>>) offsets(%arg17 : memref<80xi32, #tpu.memory_space<vmem>>) semaphore(%arg31 : memref<!tpu.dma_semaphore, #tpu.memory_space<semaphore_mem>>)
        %dma_start3A_556 = arith.constant 0 : i32
        %dma_start3A_557 = tpu.memref_slice %arg3[%dma_start3A_556] : memref<10240xf32, #tpu.memory_space<hbm>> -> memref<10240xf32, #tpu.memory_space<hbm>>
        tpu.enqueue_indirect_dma source(%dma_start3A_557 : memref<10240xf32, #tpu.memory_space<hbm>>) target(%arg23 : memref<80xf32, #tpu.memory_space<vmem>>) offsets(%arg17 : memref<80xi32, #tpu.memory_space<vmem>>) semaphore(%arg34 : memref<!tpu.dma_semaphore, #tpu.memory_space<semaphore_mem>>)
      } else {
      }
      %dma_wait3A_368 = arith.constant 0 : i32
      %dma_wait3A_369 = arith.constant 0 : i32
      %dma_wait3A_370 = tpu.memref_slice %arg2[%dma_wait3A_368, %dma_wait3A_369] : memref<10240x128xf32, #tpu.memory_space<hbm>> -> memref<10240x128xf32, #tpu.memory_space<hbm>>
      tpu.wait_indirect_dma semaphore(%arg30 : memref<!tpu.dma_semaphore, #tpu.memory_space<semaphore_mem>>) src(%dma_wait3A_370 : memref<10240x128xf32, #tpu.memory_space<hbm>>) dst(%arg19 : memref<80x128xf32, #tpu.memory_space<vmem>>)
      %dma_wait3A_371 = arith.constant 0 : i32
      %dma_wait3A_372 = tpu.memref_slice %arg3[%dma_wait3A_371] : memref<10240xf32, #tpu.memory_space<hbm>> -> memref<10240xf32, #tpu.memory_space<hbm>>
      tpu.wait_indirect_dma semaphore(%arg33 : memref<!tpu.dma_semaphore, #tpu.memory_space<semaphore_mem>>) src(%dma_wait3A_372 : memref<10240xf32, #tpu.memory_space<hbm>>) dst(%arg22 : memref<80xf32, #tpu.memory_space<vmem>>)
      %dma_start3A_373 = arith.constant 0 : i32
      %dma_start3A_374 = arith.constant 0 : i32
      %dma_start3A_375 = tpu.memref_slice %arg26[%dma_start3A_373, %dma_start3A_374] : memref<10240x128xf32, #tpu.memory_space<vmem_shared>> -> memref<10240x128xf32, #tpu.memory_space<vmem_shared>>
      tpu.enqueue_indirect_dma source(%arg19 : memref<80x128xf32, #tpu.memory_space<vmem>>) target(%dma_start3A_375 : memref<10240x128xf32, #tpu.memory_space<vmem_shared>>) offsets(%arg13 : memref<80xi32, #tpu.memory_space<vmem>>) semaphore(%arg36 : memref<!tpu.dma_semaphore, #tpu.memory_space<semaphore_mem>>) {add = true}
      %dma_start3A_376 = arith.constant 0 : i32
      %dma_start3A_377 = tpu.memref_slice %arg27[%dma_start3A_376] : memref<10240xf32, #tpu.memory_space<vmem_shared>> -> memref<10240xf32, #tpu.memory_space<vmem_shared>>
      tpu.enqueue_indirect_dma source(%arg22 : memref<80xf32, #tpu.memory_space<vmem>>) target(%dma_start3A_377 : memref<10240xf32, #tpu.memory_space<vmem_shared>>) offsets(%arg13 : memref<80xi32, #tpu.memory_space<vmem>>) semaphore(%arg39 : memref<!tpu.dma_semaphore, #tpu.memory_space<semaphore_mem>>) {add = true}
      %dma_start3A_378 = arith.constant 0 : i32
      %dma_start3A_379 = tpu.memref_slice %arg28[%dma_start3A_378] : memref<10240xf32, #tpu.memory_space<vmem_shared>> -> memref<10240xf32, #tpu.memory_space<vmem_shared>>
      tpu.enqueue_indirect_dma source(%arg24 : memref<80xf32, #tpu.memory_space<vmem>>) target(%dma_start3A_379 : memref<10240xf32, #tpu.memory_space<vmem_shared>>) offsets(%arg13 : memref<80xi32, #tpu.memory_space<vmem>>) semaphore(%arg42 : memref<!tpu.dma_semaphore, #tpu.memory_space<semaphore_mem>>) {add = true}
      %mul3A_380 = arith.constant 3 : i32
      %mul3A_381 = arith.muli %scan3A_326, %mul3A_380 : i32
      %add3A_382 = arith.constant 2 : i32
      %add3A_383 = arith.addi %mul3A_381, %add3A_382 : i32
      %ge3A_384 = arith.constant 2 : i32
      %ge3A_385 = arith.cmpi sge, %add3A_383, %ge3A_384 : i32
      %convert_element_type3A_386 = arith.extui %ge3A_385 : i1 to i32
      %cond3A_387 = arith.constant 0 : i32
      %cond3A_388 = arith.cmpi ne, %convert_element_type3A_386, %cond3A_387 : i32
      scf.if %cond3A_388 {
        %dma_wait3A_409 = arith.constant 0 : i32
        %dma_wait3A_410 = arith.constant 0 : i32
        %dma_wait3A_411 = tpu.memref_slice %arg26[%dma_wait3A_409, %dma_wait3A_410] : memref<10240x128xf32, #tpu.memory_space<vmem_shared>> -> memref<10240x128xf32, #tpu.memory_space<vmem_shared>>
        tpu.wait_indirect_dma semaphore(%arg35 : memref<!tpu.dma_semaphore, #tpu.memory_space<semaphore_mem>>) src(%arg18 : memref<80x128xf32, #tpu.memory_space<vmem>>) dst(%dma_wait3A_411 : memref<10240x128xf32, #tpu.memory_space<vmem_shared>>)
        %dma_wait3A_412 = arith.constant 0 : i32
        %dma_wait3A_413 = tpu.memref_slice %arg27[%dma_wait3A_412] : memref<10240xf32, #tpu.memory_space<vmem_shared>> -> memref<10240xf32, #tpu.memory_space<vmem_shared>>
        tpu.wait_indirect_dma semaphore(%arg38 : memref<!tpu.dma_semaphore, #tpu.memory_space<semaphore_mem>>) src(%arg21 : memref<80xf32, #tpu.memory_space<vmem>>) dst(%dma_wait3A_413 : memref<10240xf32, #tpu.memory_space<vmem_shared>>)
        %dma_wait3A_414 = arith.constant 0 : i32
        %dma_wait3A_415 = tpu.memref_slice %arg28[%dma_wait3A_414] : memref<10240xf32, #tpu.memory_space<vmem_shared>> -> memref<10240xf32, #tpu.memory_space<vmem_shared>>
        tpu.wait_indirect_dma semaphore(%arg41 : memref<!tpu.dma_semaphore, #tpu.memory_space<semaphore_mem>>) src(%arg24 : memref<80xf32, #tpu.memory_space<vmem>>) dst(%dma_wait3A_415 : memref<10240xf32, #tpu.memory_space<vmem_shared>>)
      } else {
      }
      %add3A_389 = arith.constant 1 : i32
      %add3A_390 = arith.addi %add3A_383, %add3A_389 : i32
      %lt3A_391 = arith.constant 125 : i32
      %lt3A_392 = arith.cmpi slt, %add3A_390, %lt3A_391 : i32
      %convert_element_type3A_393 = arith.extui %lt3A_392 : i1 to i32
      %cond3A_394 = arith.constant 0 : i32
      %cond3A_395 = arith.cmpi ne, %convert_element_type3A_393, %cond3A_394 : i32
      scf.if %cond3A_395 {
        %add3A_409 = arith.constant 1 : i32
        %add3A_410 = arith.addi %add3A_383, %add3A_409 : i32
        %jit3A = arith.constant 25 : i32
        %eq3A = arith.constant 0 : i32
        %eq3A_411 = arith.cmpi eq, %jit3A, %eq3A : i32
        %jit3A_412 = arith.constant 1 : i32
        %select_n3A = arith.select %eq3A_411, %jit3A_412, %jit3A : i32
        %rem3A = arith.remsi %add3A_410, %select_n3A : i32
        %ne3A = arith.constant 0 : i32
        %ne3A_413 = arith.cmpi ne, %rem3A, %ne3A : i32
        %lt3A_414 = arith.constant 0 : i32
        %lt3A_415 = arith.cmpi slt, %rem3A, %lt3A_414 : i32
        %lt3A_416 = arith.constant 0 : i32
        %lt3A_417 = arith.cmpi slt, %select_n3A, %lt3A_416 : i32
        %ne3A_418 = arith.xori %lt3A_415, %lt3A_417 : i1
        %and3A = arith.andi %ne3A_418, %ne3A_413 : i1
        %add3A_419 = arith.addi %rem3A, %select_n3A : i32
        %select_n3A_420 = arith.select %and3A, %add3A_419, %rem3A : i32
        %eq3A_421 = arith.constant 0 : i32
        %eq3A_422 = arith.cmpi eq, %select_n3A_420, %eq3A_421 : i32
        %convert_element_type3A_423 = arith.extui %eq3A_422 : i1 to i32
        %cond3A_424 = arith.constant 0 : i32
        %cond3A_425 = arith.cmpi ne, %convert_element_type3A_423, %cond3A_424 : i32
        scf.if %cond3A_425 {
          %mul3A_558 = arith.constant 80 : i32
          %mul3A_559 = arith.muli %add3A_410, %mul3A_558 : i32
          %add3A_560 = arith.addi %mul3A_30, %mul3A_559 : i32
          "tpu.region"() ({
            %run_scoped3A = tpu.sem_alloc : memref<!tpu.dma_semaphore, #tpu.memory_space<semaphore_mem>>
            %dma_start3A_561 = tpu.memref_slice %arg4[%add3A_560] : memref<320000xi32, #tpu.memory_space<hbm>> -> memref<2000xi32, #tpu.memory_space<hbm>>
            %dma_start3A_562 = tpu.memref_slice %arg4[%add3A_560] : memref<320000xi32, #tpu.memory_space<hbm>> -> memref<2000xi32, #tpu.memory_space<hbm>>
            tpu.enqueue_dma source(%dma_start3A_562 : memref<2000xi32, #tpu.memory_space<hbm>>) target(%arg10 : memref<2000xi32, #tpu.memory_space<vmem>>) target_semaphore(%run_scoped3A : memref<!tpu.dma_semaphore, #tpu.memory_space<semaphore_mem>>)
            %dma_wait3A_563 = tpu.memref_slice %arg4[%add3A_560] : memref<320000xi32, #tpu.memory_space<hbm>> -> memref<2000xi32, #tpu.memory_space<hbm>>
            %dma_wait3A_564 = tpu.memref_slice %arg4[%add3A_560] : memref<320000xi32, #tpu.memory_space<hbm>> -> memref<2000xi32, #tpu.memory_space<hbm>>
            tpu.wait_dma2 semaphore(%run_scoped3A : memref<!tpu.dma_semaphore, #tpu.memory_space<semaphore_mem>>) src(%dma_wait3A_564 : memref<2000xi32, #tpu.memory_space<hbm>>) dst(%arg10 : memref<2000xi32, #tpu.memory_space<vmem>>)
            tpu.yield
          }) : () -> ()
          "tpu.region"() ({
            %run_scoped3A = tpu.sem_alloc : memref<!tpu.dma_semaphore, #tpu.memory_space<semaphore_mem>>
            %dma_start3A_561 = tpu.memref_slice %arg5[%add3A_560] : memref<320000xi32, #tpu.memory_space<hbm>> -> memref<2000xi32, #tpu.memory_space<hbm>>
            %dma_start3A_562 = tpu.memref_slice %arg5[%add3A_560] : memref<320000xi32, #tpu.memory_space<hbm>> -> memref<2000xi32, #tpu.memory_space<hbm>>
            tpu.enqueue_dma source(%dma_start3A_562 : memref<2000xi32, #tpu.memory_space<hbm>>) target(%arg11 : memref<2000xi32, #tpu.memory_space<vmem>>) target_semaphore(%run_scoped3A : memref<!tpu.dma_semaphore, #tpu.memory_space<semaphore_mem>>)
            %dma_wait3A_563 = tpu.memref_slice %arg5[%add3A_560] : memref<320000xi32, #tpu.memory_space<hbm>> -> memref<2000xi32, #tpu.memory_space<hbm>>
            %dma_wait3A_564 = tpu.memref_slice %arg5[%add3A_560] : memref<320000xi32, #tpu.memory_space<hbm>> -> memref<2000xi32, #tpu.memory_space<hbm>>
            tpu.wait_dma2 semaphore(%run_scoped3A : memref<!tpu.dma_semaphore, #tpu.memory_space<semaphore_mem>>) src(%dma_wait3A_564 : memref<2000xi32, #tpu.memory_space<hbm>>) dst(%arg11 : memref<2000xi32, #tpu.memory_space<vmem>>)
            tpu.yield
          }) : () -> ()
        } else {
        }
        %add3A_426 = arith.constant 1 : i32
        %add3A_427 = arith.addi %add3A_383, %add3A_426 : i32
        %jit3A_428 = arith.constant 25 : i32
        %eq3A_429 = arith.constant 0 : i32
        %eq3A_430 = arith.cmpi eq, %jit3A_428, %eq3A_429 : i32
        %jit3A_431 = arith.constant 1 : i32
        %select_n3A_432 = arith.select %eq3A_430, %jit3A_431, %jit3A_428 : i32
        %rem3A_433 = arith.remsi %add3A_427, %select_n3A_432 : i32
        %ne3A_434 = arith.constant 0 : i32
        %ne3A_435 = arith.cmpi ne, %rem3A_433, %ne3A_434 : i32
        %lt3A_436 = arith.constant 0 : i32
        %lt3A_437 = arith.cmpi slt, %rem3A_433, %lt3A_436 : i32
        %lt3A_438 = arith.constant 0 : i32
        %lt3A_439 = arith.cmpi slt, %select_n3A_432, %lt3A_438 : i32
        %ne3A_440 = arith.xori %lt3A_437, %lt3A_439 : i1
        %and3A_441 = arith.andi %ne3A_440, %ne3A_435 : i1
        %add3A_442 = arith.addi %rem3A_433, %select_n3A_432 : i32
        %select_n3A_443 = arith.select %and3A_441, %add3A_442, %rem3A_433 : i32
        %mul3A_444 = arith.constant 80 : i32
        %mul3A_445 = arith.muli %select_n3A_443, %mul3A_444 : i32
        %scan3A_446 = arith.constant 0 : i32
        %scan3A_447 = arith.constant 0 : i32
        %mul3A_448 = arith.constant 16 : i32
        %mul3A_449 = arith.muli %scan3A_447, %mul3A_448 : i32
        %mul3A_450 = arith.constant 16 : i32
        %mul3A_451 = arith.muli %scan3A_447, %mul3A_450 : i32
        %add3A_452 = arith.addi %mul3A_445, %mul3A_451 : i32
        %get3A_453 = arith.index_cast %add3A_452 : i32 to index
        %get3A_454 = tpu.vector_load %arg10[%get3A_453] {strides = array<i32>} : memref<2000xi32, #tpu.memory_space<vmem>>, vector<16xi32>,
        %get3A_455 = vector.shape_cast %get3A_454 : vector<16xi32> to vector<16xi32>
        %swap3A_456 = arith.index_cast %mul3A_449 : i32 to index
        %swap3A_457 = tpu.vector_load %arg12[%swap3A_456] {strides = array<i32>} : memref<80xi32, #tpu.memory_space<vmem>>, vector<16xi32>,
        %swap3A_458 = vector.shape_cast %swap3A_457 : vector<16xi32> to vector<16xi32>
        %swap3A_459 = vector.shape_cast %get3A_455 : vector<16xi32> to vector<16xi32>
        tpu.vector_store %arg12[%swap3A_456], %swap3A_459 {strides = array<i32>} : memref<80xi32, #tpu.memory_space<vmem>>, vector<16xi32>,
        %get3A_460 = arith.index_cast %add3A_452 : i32 to index
        %get3A_461 = tpu.vector_load %arg11[%get3A_460] {strides = array<i32>} : memref<2000xi32, #tpu.memory_space<vmem>>, vector<16xi32>,
        %get3A_462 = vector.shape_cast %get3A_461 : vector<16xi32> to vector<16xi32>
        %swap3A_463 = arith.index_cast %mul3A_449 : i32 to index
        %swap3A_464 = tpu.vector_load %arg15[%swap3A_463] {strides = array<i32>} : memref<80xi32, #tpu.memory_space<vmem>>, vector<16xi32>,
        %swap3A_465 = vector.shape_cast %swap3A_464 : vector<16xi32> to vector<16xi32>
        %swap3A_466 = vector.shape_cast %get3A_462 : vector<16xi32> to vector<16xi32>
        tpu.vector_store %arg15[%swap3A_463], %swap3A_466 {strides = array<i32>} : memref<80xi32, #tpu.memory_space<vmem>>, vector<16xi32>,
        %scan3A_467 = arith.constant 0 : i32
        %scan3A_468 = arith.constant 1 : i32
        %mul3A_469 = arith.constant 16 : i32
        %mul3A_470 = arith.muli %scan3A_468, %mul3A_469 : i32
        %mul3A_471 = arith.constant 16 : i32
        %mul3A_472 = arith.muli %scan3A_468, %mul3A_471 : i32
        %add3A_473 = arith.addi %mul3A_445, %mul3A_472 : i32
        %get3A_474 = arith.index_cast %add3A_473 : i32 to index
        %get3A_475 = tpu.vector_load %arg10[%get3A_474] {strides = array<i32>} : memref<2000xi32, #tpu.memory_space<vmem>>, vector<16xi32>,
        %get3A_476 = vector.shape_cast %get3A_475 : vector<16xi32> to vector<16xi32>
        %swap3A_477 = arith.index_cast %mul3A_470 : i32 to index
        %swap3A_478 = tpu.vector_load %arg12[%swap3A_477] {strides = array<i32>} : memref<80xi32, #tpu.memory_space<vmem>>, vector<16xi32>,
        %swap3A_479 = vector.shape_cast %swap3A_478 : vector<16xi32> to vector<16xi32>
        %swap3A_480 = vector.shape_cast %get3A_476 : vector<16xi32> to vector<16xi32>
        tpu.vector_store %arg12[%swap3A_477], %swap3A_480 {strides = array<i32>} : memref<80xi32, #tpu.memory_space<vmem>>, vector<16xi32>,
        %get3A_481 = arith.index_cast %add3A_473 : i32 to index
        %get3A_482 = tpu.vector_load %arg11[%get3A_481] {strides = array<i32>} : memref<2000xi32, #tpu.memory_space<vmem>>, vector<16xi32>,
        %get3A_483 = vector.shape_cast %get3A_482 : vector<16xi32> to vector<16xi32>
        %swap3A_484 = arith.index_cast %mul3A_470 : i32 to index
        %swap3A_485 = tpu.vector_load %arg15[%swap3A_484] {strides = array<i32>} : memref<80xi32, #tpu.memory_space<vmem>>, vector<16xi32>,
        %swap3A_486 = vector.shape_cast %swap3A_485 : vector<16xi32> to vector<16xi32>
        %swap3A_487 = vector.shape_cast %get3A_483 : vector<16xi32> to vector<16xi32>
        tpu.vector_store %arg15[%swap3A_484], %swap3A_487 {strides = array<i32>} : memref<80xi32, #tpu.memory_space<vmem>>, vector<16xi32>,
        %scan3A_488 = arith.constant 0 : i32
        %scan3A_489 = arith.constant 2 : i32
        %mul3A_490 = arith.constant 16 : i32
        %mul3A_491 = arith.muli %scan3A_489, %mul3A_490 : i32
        %mul3A_492 = arith.constant 16 : i32
        %mul3A_493 = arith.muli %scan3A_489, %mul3A_492 : i32
        %add3A_494 = arith.addi %mul3A_445, %mul3A_493 : i32
        %get3A_495 = arith.index_cast %add3A_494 : i32 to index
        %get3A_496 = tpu.vector_load %arg10[%get3A_495] {strides = array<i32>} : memref<2000xi32, #tpu.memory_space<vmem>>, vector<16xi32>,
        %get3A_497 = vector.shape_cast %get3A_496 : vector<16xi32> to vector<16xi32>
        %swap3A_498 = arith.index_cast %mul3A_491 : i32 to index
        %swap3A_499 = tpu.vector_load %arg12[%swap3A_498] {strides = array<i32>} : memref<80xi32, #tpu.memory_space<vmem>>, vector<16xi32>,
        %swap3A_500 = vector.shape_cast %swap3A_499 : vector<16xi32> to vector<16xi32>
        %swap3A_501 = vector.shape_cast %get3A_497 : vector<16xi32> to vector<16xi32>
        tpu.vector_store %arg12[%swap3A_498], %swap3A_501 {strides = array<i32>} : memref<80xi32, #tpu.memory_space<vmem>>, vector<16xi32>,
        %get3A_502 = arith.index_cast %add3A_494 : i32 to index
        %get3A_503 = tpu.vector_load %arg11[%get3A_502] {strides = array<i32>} : memref<2000xi32, #tpu.memory_space<vmem>>, vector<16xi32>,
        %get3A_504 = vector.shape_cast %get3A_503 : vector<16xi32> to vector<16xi32>
        %swap3A_505 = arith.index_cast %mul3A_491 : i32 to index
        %swap3A_506 = tpu.vector_load %arg15[%swap3A_505] {strides = array<i32>} : memref<80xi32, #tpu.memory_space<vmem>>, vector<16xi32>,
        %swap3A_507 = vector.shape_cast %swap3A_506 : vector<16xi32> to vector<16xi32>
        %swap3A_508 = vector.shape_cast %get3A_504 : vector<16xi32> to vector<16xi32>
        tpu.vector_store %arg15[%swap3A_505], %swap3A_508 {strides = array<i32>} : memref<80xi32, #tpu.memory_space<vmem>>, vector<16xi32>,
        %scan3A_509 = arith.constant 0 : i32
        %scan3A_510 = arith.constant 3 : i32
        %mul3A_511 = arith.constant 16 : i32
        %mul3A_512 = arith.muli %scan3A_510, %mul3A_511 : i32
        %mul3A_513 = arith.constant 16 : i32
        %mul3A_514 = arith.muli %scan3A_510, %mul3A_513 : i32
        %add3A_515 = arith.addi %mul3A_445, %mul3A_514 : i32
        %get3A_516 = arith.index_cast %add3A_515 : i32 to index
        %get3A_517 = tpu.vector_load %arg10[%get3A_516] {strides = array<i32>} : memref<2000xi32, #tpu.memory_space<vmem>>, vector<16xi32>,
        %get3A_518 = vector.shape_cast %get3A_517 : vector<16xi32> to vector<16xi32>
        %swap3A_519 = arith.index_cast %mul3A_512 : i32 to index
        %swap3A_520 = tpu.vector_load %arg12[%swap3A_519] {strides = array<i32>} : memref<80xi32, #tpu.memory_space<vmem>>, vector<16xi32>,
        %swap3A_521 = vector.shape_cast %swap3A_520 : vector<16xi32> to vector<16xi32>
        %swap3A_522 = vector.shape_cast %get3A_518 : vector<16xi32> to vector<16xi32>
        tpu.vector_store %arg12[%swap3A_519], %swap3A_522 {strides = array<i32>} : memref<80xi32, #tpu.memory_space<vmem>>, vector<16xi32>,
        %get3A_523 = arith.index_cast %add3A_515 : i32 to index
        %get3A_524 = tpu.vector_load %arg11[%get3A_523] {strides = array<i32>} : memref<2000xi32, #tpu.memory_space<vmem>>, vector<16xi32>,
        %get3A_525 = vector.shape_cast %get3A_524 : vector<16xi32> to vector<16xi32>
        %swap3A_526 = arith.index_cast %mul3A_512 : i32 to index
        %swap3A_527 = tpu.vector_load %arg15[%swap3A_526] {strides = array<i32>} : memref<80xi32, #tpu.memory_space<vmem>>, vector<16xi32>,
        %swap3A_528 = vector.shape_cast %swap3A_527 : vector<16xi32> to vector<16xi32>
        %swap3A_529 = vector.shape_cast %get3A_525 : vector<16xi32> to vector<16xi32>
        tpu.vector_store %arg15[%swap3A_526], %swap3A_529 {strides = array<i32>} : memref<80xi32, #tpu.memory_space<vmem>>, vector<16xi32>,
        %scan3A_530 = arith.constant 0 : i32
        %scan3A_531 = arith.constant 4 : i32
        %mul3A_532 = arith.constant 16 : i32
        %mul3A_533 = arith.muli %scan3A_531, %mul3A_532 : i32
        %mul3A_534 = arith.constant 16 : i32
        %mul3A_535 = arith.muli %scan3A_531, %mul3A_534 : i32
        %add3A_536 = arith.addi %mul3A_445, %mul3A_535 : i32
        %get3A_537 = arith.index_cast %add3A_536 : i32 to index
        %get3A_538 = tpu.vector_load %arg10[%get3A_537] {strides = array<i32>} : memref<2000xi32, #tpu.memory_space<vmem>>, vector<16xi32>,
        %get3A_539 = vector.shape_cast %get3A_538 : vector<16xi32> to vector<16xi32>
        %swap3A_540 = arith.index_cast %mul3A_533 : i32 to index
        %swap3A_541 = tpu.vector_load %arg12[%swap3A_540] {strides = array<i32>} : memref<80xi32, #tpu.memory_space<vmem>>, vector<16xi32>,
        %swap3A_542 = vector.shape_cast %swap3A_541 : vector<16xi32> to vector<16xi32>
        %swap3A_543 = vector.shape_cast %get3A_539 : vector<16xi32> to vector<16xi32>
        tpu.vector_store %arg12[%swap3A_540], %swap3A_543 {strides = array<i32>} : memref<80xi32, #tpu.memory_space<vmem>>, vector<16xi32>,
        %get3A_544 = arith.index_cast %add3A_536 : i32 to index
        %get3A_545 = tpu.vector_load %arg11[%get3A_544] {strides = array<i32>} : memref<2000xi32, #tpu.memory_space<vmem>>, vector<16xi32>,
        %get3A_546 = vector.shape_cast %get3A_545 : vector<16xi32> to vector<16xi32>
        %swap3A_547 = arith.index_cast %mul3A_533 : i32 to index
        %swap3A_548 = tpu.vector_load %arg15[%swap3A_547] {strides = array<i32>} : memref<80xi32, #tpu.memory_space<vmem>>, vector<16xi32>,
        %swap3A_549 = vector.shape_cast %swap3A_548 : vector<16xi32> to vector<16xi32>
        %swap3A_550 = vector.shape_cast %get3A_546 : vector<16xi32> to vector<16xi32>
        tpu.vector_store %arg15[%swap3A_547], %swap3A_550 {strides = array<i32>} : memref<80xi32, #tpu.memory_space<vmem>>, vector<16xi32>,
        %scan3A_551 = arith.constant 0 : i32
        %scan3A_552 = arith.constant 5 : i32
        %dma_start3A_553 = arith.constant 0 : i32
        %dma_start3A_554 = arith.constant 0 : i32
        %dma_start3A_555 = tpu.memref_slice %arg2[%dma_start3A_553, %dma_start3A_554] : memref<10240x128xf32, #tpu.memory_space<hbm>> -> memref<10240x128xf32, #tpu.memory_space<hbm>>
        tpu.enqueue_indirect_dma source(%dma_start3A_555 : memref<10240x128xf32, #tpu.memory_space<hbm>>) target(%arg18 : memref<80x128xf32, #tpu.memory_space<vmem>>) offsets(%arg15 : memref<80xi32, #tpu.memory_space<vmem>>) semaphore(%arg29 : memref<!tpu.dma_semaphore, #tpu.memory_space<semaphore_mem>>)
        %dma_start3A_556 = arith.constant 0 : i32
        %dma_start3A_557 = tpu.memref_slice %arg3[%dma_start3A_556] : memref<10240xf32, #tpu.memory_space<hbm>> -> memref<10240xf32, #tpu.memory_space<hbm>>
        tpu.enqueue_indirect_dma source(%dma_start3A_557 : memref<10240xf32, #tpu.memory_space<hbm>>) target(%arg21 : memref<80xf32, #tpu.memory_space<vmem>>) offsets(%arg15 : memref<80xi32, #tpu.memory_space<vmem>>) semaphore(%arg32 : memref<!tpu.dma_semaphore, #tpu.memory_space<semaphore_mem>>)
      } else {
      }
      %dma_wait3A_396 = arith.constant 0 : i32
      %dma_wait3A_397 = arith.constant 0 : i32
      %dma_wait3A_398 = tpu.memref_slice %arg2[%dma_wait3A_396, %dma_wait3A_397] : memref<10240x128xf32, #tpu.memory_space<hbm>> -> memref<10240x128xf32, #tpu.memory_space<hbm>>
      tpu.wait_indirect_dma semaphore(%arg31 : memref<!tpu.dma_semaphore, #tpu.memory_space<semaphore_mem>>) src(%dma_wait3A_398 : memref<10240x128xf32, #tpu.memory_space<hbm>>) dst(%arg20 : memref<80x128xf32, #tpu.memory_space<vmem>>)
      %dma_wait3A_399 = arith.constant 0 : i32
      %dma_wait3A_400 = tpu.memref_slice %arg3[%dma_wait3A_399] : memref<10240xf32, #tpu.memory_space<hbm>> -> memref<10240xf32, #tpu.memory_space<hbm>>
      tpu.wait_indirect_dma semaphore(%arg34 : memref<!tpu.dma_semaphore, #tpu.memory_space<semaphore_mem>>) src(%dma_wait3A_400 : memref<10240xf32, #tpu.memory_space<hbm>>) dst(%arg23 : memref<80xf32, #tpu.memory_space<vmem>>)
      %dma_start3A_401 = arith.constant 0 : i32
      %dma_start3A_402 = arith.constant 0 : i32
      %dma_start3A_403 = tpu.memref_slice %arg26[%dma_start3A_401, %dma_start3A_402] : memref<10240x128xf32, #tpu.memory_space<vmem_shared>> -> memref<10240x128xf32, #tpu.memory_space<vmem_shared>>
      tpu.enqueue_indirect_dma source(%arg20 : memref<80x128xf32, #tpu.memory_space<vmem>>) target(%dma_start3A_403 : memref<10240x128xf32, #tpu.memory_space<vmem_shared>>) offsets(%arg14 : memref<80xi32, #tpu.memory_space<vmem>>) semaphore(%arg37 : memref<!tpu.dma_semaphore, #tpu.memory_space<semaphore_mem>>) {add = true}
      %dma_start3A_404 = arith.constant 0 : i32
      %dma_start3A_405 = tpu.memref_slice %arg27[%dma_start3A_404] : memref<10240xf32, #tpu.memory_space<vmem_shared>> -> memref<10240xf32, #tpu.memory_space<vmem_shared>>
      tpu.enqueue_indirect_dma source(%arg23 : memref<80xf32, #tpu.memory_space<vmem>>) target(%dma_start3A_405 : memref<10240xf32, #tpu.memory_space<vmem_shared>>) offsets(%arg14 : memref<80xi32, #tpu.memory_space<vmem>>) semaphore(%arg40 : memref<!tpu.dma_semaphore, #tpu.memory_space<semaphore_mem>>) {add = true}
      %dma_start3A_406 = arith.constant 0 : i32
      %dma_start3A_407 = tpu.memref_slice %arg28[%dma_start3A_406] : memref<10240xf32, #tpu.memory_space<vmem_shared>> -> memref<10240xf32, #tpu.memory_space<vmem_shared>>
      tpu.enqueue_indirect_dma source(%arg24 : memref<80xf32, #tpu.memory_space<vmem>>) target(%dma_start3A_407 : memref<10240xf32, #tpu.memory_space<vmem_shared>>) offsets(%arg14 : memref<80xi32, #tpu.memory_space<vmem>>) semaphore(%arg43 : memref<!tpu.dma_semaphore, #tpu.memory_space<semaphore_mem>>) {add = true}
      %scan3A_408 = arith.constant 0 : i32
      scf.yield %scan3A_408 : i32
    }
    %scan3A_154 = arith.constant 41 : i32
    %dma_wait3A = arith.constant 0 : i32
    %dma_wait3A_155 = arith.constant 0 : i32
    %dma_wait3A_156 = tpu.memref_slice %arg26[%dma_wait3A, %dma_wait3A_155] : memref<10240x128xf32, #tpu.memory_space<vmem_shared>> -> memref<10240x128xf32, #tpu.memory_space<vmem_shared>>
    tpu.wait_indirect_dma semaphore(%arg36 : memref<!tpu.dma_semaphore, #tpu.memory_space<semaphore_mem>>) src(%arg19 : memref<80x128xf32, #tpu.memory_space<vmem>>) dst(%dma_wait3A_156 : memref<10240x128xf32, #tpu.memory_space<vmem_shared>>)
    %dma_wait3A_157 = arith.constant 0 : i32
    %dma_wait3A_158 = tpu.memref_slice %arg27[%dma_wait3A_157] : memref<10240xf32, #tpu.memory_space<vmem_shared>> -> memref<10240xf32, #tpu.memory_space<vmem_shared>>
    tpu.wait_indirect_dma semaphore(%arg39 : memref<!tpu.dma_semaphore, #tpu.memory_space<semaphore_mem>>) src(%arg22 : memref<80xf32, #tpu.memory_space<vmem>>) dst(%dma_wait3A_158 : memref<10240xf32, #tpu.memory_space<vmem_shared>>)
    %dma_wait3A_159 = arith.constant 0 : i32
    %dma_wait3A_160 = tpu.memref_slice %arg28[%dma_wait3A_159] : memref<10240xf32, #tpu.memory_space<vmem_shared>> -> memref<10240xf32, #tpu.memory_space<vmem_shared>>
    tpu.wait_indirect_dma semaphore(%arg42 : memref<!tpu.dma_semaphore, #tpu.memory_space<semaphore_mem>>) src(%arg24 : memref<80xf32, #tpu.memory_space<vmem>>) dst(%dma_wait3A_160 : memref<10240xf32, #tpu.memory_space<vmem_shared>>)
    %scan3A_161 = arith.constant 0 : i32
    %scan3A_162 = arith.constant 0 : i32
    %mul3A_163 = arith.constant 16 : i32
    %mul3A_164 = arith.muli %scan3A_162, %mul3A_163 : i32
    %mul3A_165 = arith.constant 16 : i32
    %mul3A_166 = arith.muli %scan3A_162, %mul3A_165 : i32
    %add3A_167 = arith.constant 1920 : i32
    %add3A_168 = arith.addi %add3A_167, %mul3A_166 : i32
    %get3A_169 = arith.index_cast %add3A_168 : i32 to index
    %get3A_170 = tpu.vector_load %arg10[%get3A_169] {strides = array<i32>} : memref<2000xi32, #tpu.memory_space<vmem>>, vector<16xi32>,
    %get3A_171 = vector.shape_cast %get3A_170 : vector<16xi32> to vector<16xi32>
    %swap3A_172 = arith.index_cast %mul3A_164 : i32 to index
    %swap3A_173 = tpu.vector_load %arg13[%swap3A_172] {strides = array<i32>} : memref<80xi32, #tpu.memory_space<vmem>>, vector<16xi32>,
    %swap3A_174 = vector.shape_cast %swap3A_173 : vector<16xi32> to vector<16xi32>
    %swap3A_175 = vector.shape_cast %get3A_171 : vector<16xi32> to vector<16xi32>
    tpu.vector_store %arg13[%swap3A_172], %swap3A_175 {strides = array<i32>} : memref<80xi32, #tpu.memory_space<vmem>>, vector<16xi32>,
    %get3A_176 = arith.index_cast %add3A_168 : i32 to index
    %get3A_177 = tpu.vector_load %arg11[%get3A_176] {strides = array<i32>} : memref<2000xi32, #tpu.memory_space<vmem>>, vector<16xi32>,
    %get3A_178 = vector.shape_cast %get3A_177 : vector<16xi32> to vector<16xi32>
    %swap3A_179 = arith.index_cast %mul3A_164 : i32 to index
    %swap3A_180 = tpu.vector_load %arg16[%swap3A_179] {strides = array<i32>} : memref<80xi32, #tpu.memory_space<vmem>>, vector<16xi32>,
    %swap3A_181 = vector.shape_cast %swap3A_180 : vector<16xi32> to vector<16xi32>
    %swap3A_182 = vector.shape_cast %get3A_178 : vector<16xi32> to vector<16xi32>
    tpu.vector_store %arg16[%swap3A_179], %swap3A_182 {strides = array<i32>} : memref<80xi32, #tpu.memory_space<vmem>>, vector<16xi32>,
    %scan3A_183 = arith.constant 0 : i32
    %scan3A_184 = arith.constant 1 : i32
    %mul3A_185 = arith.constant 16 : i32
    %mul3A_186 = arith.muli %scan3A_184, %mul3A_185 : i32
    %mul3A_187 = arith.constant 16 : i32
    %mul3A_188 = arith.muli %scan3A_184, %mul3A_187 : i32
    %add3A_189 = arith.constant 1920 : i32
    %add3A_190 = arith.addi %add3A_189, %mul3A_188 : i32
    %get3A_191 = arith.index_cast %add3A_190 : i32 to index
    %get3A_192 = tpu.vector_load %arg10[%get3A_191] {strides = array<i32>} : memref<2000xi32, #tpu.memory_space<vmem>>, vector<16xi32>,
    %get3A_193 = vector.shape_cast %get3A_192 : vector<16xi32> to vector<16xi32>
    %swap3A_194 = arith.index_cast %mul3A_186 : i32 to index
    %swap3A_195 = tpu.vector_load %arg13[%swap3A_194] {strides = array<i32>} : memref<80xi32, #tpu.memory_space<vmem>>, vector<16xi32>,
    %swap3A_196 = vector.shape_cast %swap3A_195 : vector<16xi32> to vector<16xi32>
    %swap3A_197 = vector.shape_cast %get3A_193 : vector<16xi32> to vector<16xi32>
    tpu.vector_store %arg13[%swap3A_194], %swap3A_197 {strides = array<i32>} : memref<80xi32, #tpu.memory_space<vmem>>, vector<16xi32>,
    %get3A_198 = arith.index_cast %add3A_190 : i32 to index
    %get3A_199 = tpu.vector_load %arg11[%get3A_198] {strides = array<i32>} : memref<2000xi32, #tpu.memory_space<vmem>>, vector<16xi32>,
    %get3A_200 = vector.shape_cast %get3A_199 : vector<16xi32> to vector<16xi32>
    %swap3A_201 = arith.index_cast %mul3A_186 : i32 to index
    %swap3A_202 = tpu.vector_load %arg16[%swap3A_201] {strides = array<i32>} : memref<80xi32, #tpu.memory_space<vmem>>, vector<16xi32>,
    %swap3A_203 = vector.shape_cast %swap3A_202 : vector<16xi32> to vector<16xi32>
    %swap3A_204 = vector.shape_cast %get3A_200 : vector<16xi32> to vector<16xi32>
    tpu.vector_store %arg16[%swap3A_201], %swap3A_204 {strides = array<i32>} : memref<80xi32, #tpu.memory_space<vmem>>, vector<16xi32>,
    %scan3A_205 = arith.constant 0 : i32
    %scan3A_206 = arith.constant 2 : i32
    %mul3A_207 = arith.constant 16 : i32
    %mul3A_208 = arith.muli %scan3A_206, %mul3A_207 : i32
    %mul3A_209 = arith.constant 16 : i32
    %mul3A_210 = arith.muli %scan3A_206, %mul3A_209 : i32
    %add3A_211 = arith.constant 1920 : i32
    %add3A_212 = arith.addi %add3A_211, %mul3A_210 : i32
    %get3A_213 = arith.index_cast %add3A_212 : i32 to index
    %get3A_214 = tpu.vector_load %arg10[%get3A_213] {strides = array<i32>} : memref<2000xi32, #tpu.memory_space<vmem>>, vector<16xi32>,
    %get3A_215 = vector.shape_cast %get3A_214 : vector<16xi32> to vector<16xi32>
    %swap3A_216 = arith.index_cast %mul3A_208 : i32 to index
    %swap3A_217 = tpu.vector_load %arg13[%swap3A_216] {strides = array<i32>} : memref<80xi32, #tpu.memory_space<vmem>>, vector<16xi32>,
    %swap3A_218 = vector.shape_cast %swap3A_217 : vector<16xi32> to vector<16xi32>
    %swap3A_219 = vector.shape_cast %get3A_215 : vector<16xi32> to vector<16xi32>
    tpu.vector_store %arg13[%swap3A_216], %swap3A_219 {strides = array<i32>} : memref<80xi32, #tpu.memory_space<vmem>>, vector<16xi32>,
    %get3A_220 = arith.index_cast %add3A_212 : i32 to index
    %get3A_221 = tpu.vector_load %arg11[%get3A_220] {strides = array<i32>} : memref<2000xi32, #tpu.memory_space<vmem>>, vector<16xi32>,
    %get3A_222 = vector.shape_cast %get3A_221 : vector<16xi32> to vector<16xi32>
    %swap3A_223 = arith.index_cast %mul3A_208 : i32 to index
    %swap3A_224 = tpu.vector_load %arg16[%swap3A_223] {strides = array<i32>} : memref<80xi32, #tpu.memory_space<vmem>>, vector<16xi32>,
    %swap3A_225 = vector.shape_cast %swap3A_224 : vector<16xi32> to vector<16xi32>
    %swap3A_226 = vector.shape_cast %get3A_222 : vector<16xi32> to vector<16xi32>
    tpu.vector_store %arg16[%swap3A_223], %swap3A_226 {strides = array<i32>} : memref<80xi32, #tpu.memory_space<vmem>>, vector<16xi32>,
    %scan3A_227 = arith.constant 0 : i32
    %scan3A_228 = arith.constant 3 : i32
    %mul3A_229 = arith.constant 16 : i32
    %mul3A_230 = arith.muli %scan3A_228, %mul3A_229 : i32
    %mul3A_231 = arith.constant 16 : i32
    %mul3A_232 = arith.muli %scan3A_228, %mul3A_231 : i32
    %add3A_233 = arith.constant 1920 : i32
    %add3A_234 = arith.addi %add3A_233, %mul3A_232 : i32
    %get3A_235 = arith.index_cast %add3A_234 : i32 to index
    %get3A_236 = tpu.vector_load %arg10[%get3A_235] {strides = array<i32>} : memref<2000xi32, #tpu.memory_space<vmem>>, vector<16xi32>,
    %get3A_237 = vector.shape_cast %get3A_236 : vector<16xi32> to vector<16xi32>
    %swap3A_238 = arith.index_cast %mul3A_230 : i32 to index
    %swap3A_239 = tpu.vector_load %arg13[%swap3A_238] {strides = array<i32>} : memref<80xi32, #tpu.memory_space<vmem>>, vector<16xi32>,
    %swap3A_240 = vector.shape_cast %swap3A_239 : vector<16xi32> to vector<16xi32>
    %swap3A_241 = vector.shape_cast %get3A_237 : vector<16xi32> to vector<16xi32>
    tpu.vector_store %arg13[%swap3A_238], %swap3A_241 {strides = array<i32>} : memref<80xi32, #tpu.memory_space<vmem>>, vector<16xi32>,
    %get3A_242 = arith.index_cast %add3A_234 : i32 to index
    %get3A_243 = tpu.vector_load %arg11[%get3A_242] {strides = array<i32>} : memref<2000xi32, #tpu.memory_space<vmem>>, vector<16xi32>,
    %get3A_244 = vector.shape_cast %get3A_243 : vector<16xi32> to vector<16xi32>
    %swap3A_245 = arith.index_cast %mul3A_230 : i32 to index
    %swap3A_246 = tpu.vector_load %arg16[%swap3A_245] {strides = array<i32>} : memref<80xi32, #tpu.memory_space<vmem>>, vector<16xi32>,
    %swap3A_247 = vector.shape_cast %swap3A_246 : vector<16xi32> to vector<16xi32>
    %swap3A_248 = vector.shape_cast %get3A_244 : vector<16xi32> to vector<16xi32>
    tpu.vector_store %arg16[%swap3A_245], %swap3A_248 {strides = array<i32>} : memref<80xi32, #tpu.memory_space<vmem>>, vector<16xi32>,
    %scan3A_249 = arith.constant 0 : i32
    %scan3A_250 = arith.constant 4 : i32
    %mul3A_251 = arith.constant 16 : i32
    %mul3A_252 = arith.muli %scan3A_250, %mul3A_251 : i32
    %mul3A_253 = arith.constant 16 : i32
    %mul3A_254 = arith.muli %scan3A_250, %mul3A_253 : i32
    %add3A_255 = arith.constant 1920 : i32
    %add3A_256 = arith.addi %add3A_255, %mul3A_254 : i32
    %get3A_257 = arith.index_cast %add3A_256 : i32 to index
    %get3A_258 = tpu.vector_load %arg10[%get3A_257] {strides = array<i32>} : memref<2000xi32, #tpu.memory_space<vmem>>, vector<16xi32>,
    %get3A_259 = vector.shape_cast %get3A_258 : vector<16xi32> to vector<16xi32>
    %swap3A_260 = arith.index_cast %mul3A_252 : i32 to index
    %swap3A_261 = tpu.vector_load %arg13[%swap3A_260] {strides = array<i32>} : memref<80xi32, #tpu.memory_space<vmem>>, vector<16xi32>,
    %swap3A_262 = vector.shape_cast %swap3A_261 : vector<16xi32> to vector<16xi32>
    %swap3A_263 = vector.shape_cast %get3A_259 : vector<16xi32> to vector<16xi32>
    tpu.vector_store %arg13[%swap3A_260], %swap3A_263 {strides = array<i32>} : memref<80xi32, #tpu.memory_space<vmem>>, vector<16xi32>,
    %get3A_264 = arith.index_cast %add3A_256 : i32 to index
    %get3A_265 = tpu.vector_load %arg11[%get3A_264] {strides = array<i32>} : memref<2000xi32, #tpu.memory_space<vmem>>, vector<16xi32>,
    %get3A_266 = vector.shape_cast %get3A_265 : vector<16xi32> to vector<16xi32>
    %swap3A_267 = arith.index_cast %mul3A_252 : i32 to index
    %swap3A_268 = tpu.vector_load %arg16[%swap3A_267] {strides = array<i32>} : memref<80xi32, #tpu.memory_space<vmem>>, vector<16xi32>,
    %swap3A_269 = vector.shape_cast %swap3A_268 : vector<16xi32> to vector<16xi32>
    %swap3A_270 = vector.shape_cast %get3A_266 : vector<16xi32> to vector<16xi32>
    tpu.vector_store %arg16[%swap3A_267], %swap3A_270 {strides = array<i32>} : memref<80xi32, #tpu.memory_space<vmem>>, vector<16xi32>,
    %scan3A_271 = arith.constant 0 : i32
    %scan3A_272 = arith.constant 5 : i32
    %dma_start3A_273 = arith.constant 0 : i32
    %dma_start3A_274 = arith.constant 0 : i32
    %dma_start3A_275 = tpu.memref_slice %arg2[%dma_start3A_273, %dma_start3A_274] : memref<10240x128xf32, #tpu.memory_space<hbm>> -> memref<10240x128xf32, #tpu.memory_space<hbm>>
    tpu.enqueue_indirect_dma source(%dma_start3A_275 : memref<10240x128xf32, #tpu.memory_space<hbm>>) target(%arg19 : memref<80x128xf32, #tpu.memory_space<vmem>>) offsets(%arg16 : memref<80xi32, #tpu.memory_space<vmem>>) semaphore(%arg30 : memref<!tpu.dma_semaphore, #tpu.memory_space<semaphore_mem>>)
    %dma_start3A_276 = arith.constant 0 : i32
    %dma_start3A_277 = tpu.memref_slice %arg3[%dma_start3A_276] : memref<10240xf32, #tpu.memory_space<hbm>> -> memref<10240xf32, #tpu.memory_space<hbm>>
    tpu.enqueue_indirect_dma source(%dma_start3A_277 : memref<10240xf32, #tpu.memory_space<hbm>>) target(%arg22 : memref<80xf32, #tpu.memory_space<vmem>>) offsets(%arg16 : memref<80xi32, #tpu.memory_space<vmem>>) semaphore(%arg33 : memref<!tpu.dma_semaphore, #tpu.memory_space<semaphore_mem>>)
    %dma_wait3A_278 = arith.constant 0 : i32
    %dma_wait3A_279 = arith.constant 0 : i32
    %dma_wait3A_280 = tpu.memref_slice %arg2[%dma_wait3A_278, %dma_wait3A_279] : memref<10240x128xf32, #tpu.memory_space<hbm>> -> memref<10240x128xf32, #tpu.memory_space<hbm>>
    tpu.wait_indirect_dma semaphore(%arg29 : memref<!tpu.dma_semaphore, #tpu.memory_space<semaphore_mem>>) src(%dma_wait3A_280 : memref<10240x128xf32, #tpu.memory_space<hbm>>) dst(%arg18 : memref<80x128xf32, #tpu.memory_space<vmem>>)
    %dma_wait3A_281 = arith.constant 0 : i32
    %dma_wait3A_282 = tpu.memref_slice %arg3[%dma_wait3A_281] : memref<10240xf32, #tpu.memory_space<hbm>> -> memref<10240xf32, #tpu.memory_space<hbm>>
    tpu.wait_indirect_dma semaphore(%arg32 : memref<!tpu.dma_semaphore, #tpu.memory_space<semaphore_mem>>) src(%dma_wait3A_282 : memref<10240xf32, #tpu.memory_space<hbm>>) dst(%arg21 : memref<80xf32, #tpu.memory_space<vmem>>)
    %dma_start3A_283 = arith.constant 0 : i32
    %dma_start3A_284 = arith.constant 0 : i32
    %dma_start3A_285 = tpu.memref_slice %arg26[%dma_start3A_283, %dma_start3A_284] : memref<10240x128xf32, #tpu.memory_space<vmem_shared>> -> memref<10240x128xf32, #tpu.memory_space<vmem_shared>>
    tpu.enqueue_indirect_dma source(%arg18 : memref<80x128xf32, #tpu.memory_space<vmem>>) target(%dma_start3A_285 : memref<10240x128xf32, #tpu.memory_space<vmem_shared>>) offsets(%arg12 : memref<80xi32, #tpu.memory_space<vmem>>) semaphore(%arg35 : memref<!tpu.dma_semaphore, #tpu.memory_space<semaphore_mem>>) {add = true}
    %dma_start3A_286 = arith.constant 0 : i32
    %dma_start3A_287 = tpu.memref_slice %arg27[%dma_start3A_286] : memref<10240xf32, #tpu.memory_space<vmem_shared>> -> memref<10240xf32, #tpu.memory_space<vmem_shared>>
    tpu.enqueue_indirect_dma source(%arg21 : memref<80xf32, #tpu.memory_space<vmem>>) target(%dma_start3A_287 : memref<10240xf32, #tpu.memory_space<vmem_shared>>) offsets(%arg12 : memref<80xi32, #tpu.memory_space<vmem>>) semaphore(%arg38 : memref<!tpu.dma_semaphore, #tpu.memory_space<semaphore_mem>>) {add = true}
    %dma_start3A_288 = arith.constant 0 : i32
    %dma_start3A_289 = tpu.memref_slice %arg28[%dma_start3A_288] : memref<10240xf32, #tpu.memory_space<vmem_shared>> -> memref<10240xf32, #tpu.memory_space<vmem_shared>>
    tpu.enqueue_indirect_dma source(%arg24 : memref<80xf32, #tpu.memory_space<vmem>>) target(%dma_start3A_289 : memref<10240xf32, #tpu.memory_space<vmem_shared>>) offsets(%arg12 : memref<80xi32, #tpu.memory_space<vmem>>) semaphore(%arg41 : memref<!tpu.dma_semaphore, #tpu.memory_space<semaphore_mem>>) {add = true}
    %dma_wait3A_290 = arith.constant 0 : i32
    %dma_wait3A_291 = arith.constant 0 : i32
    %dma_wait3A_292 = tpu.memref_slice %arg26[%dma_wait3A_290, %dma_wait3A_291] : memref<10240x128xf32, #tpu.memory_space<vmem_shared>> -> memref<10240x128xf32, #tpu.memory_space<vmem_shared>>
    tpu.wait_indirect_dma semaphore(%arg37 : memref<!tpu.dma_semaphore, #tpu.memory_space<semaphore_mem>>) src(%arg20 : memref<80x128xf32, #tpu.memory_space<vmem>>) dst(%dma_wait3A_292 : memref<10240x128xf32, #tpu.memory_space<vmem_shared>>)
    %dma_wait3A_293 = arith.constant 0 : i32
    %dma_wait3A_294 = tpu.memref_slice %arg27[%dma_wait3A_293] : memref<10240xf32, #tpu.memory_space<vmem_shared>> -> memref<10240xf32, #tpu.memory_space<vmem_shared>>
    tpu.wait_indirect_dma semaphore(%arg40 : memref<!tpu.dma_semaphore, #tpu.memory_space<semaphore_mem>>) src(%arg23 : memref<80xf32, #tpu.memory_space<vmem>>) dst(%dma_wait3A_294 : memref<10240xf32, #tpu.memory_space<vmem_shared>>)
    %dma_wait3A_295 = arith.constant 0 : i32
    %dma_wait3A_296 = tpu.memref_slice %arg28[%dma_wait3A_295] : memref<10240xf32, #tpu.memory_space<vmem_shared>> -> memref<10240xf32, #tpu.memory_space<vmem_shared>>
    tpu.wait_indirect_dma semaphore(%arg43 : memref<!tpu.dma_semaphore, #tpu.memory_space<semaphore_mem>>) src(%arg24 : memref<80xf32, #tpu.memory_space<vmem>>) dst(%dma_wait3A_296 : memref<10240xf32, #tpu.memory_space<vmem_shared>>)
    %dma_wait3A_297 = arith.constant 0 : i32
    %dma_wait3A_298 = arith.constant 0 : i32
    %dma_wait3A_299 = tpu.memref_slice %arg2[%dma_wait3A_297, %dma_wait3A_298] : memref<10240x128xf32, #tpu.memory_space<hbm>> -> memref<10240x128xf32, #tpu.memory_space<hbm>>
    tpu.wait_indirect_dma semaphore(%arg30 : memref<!tpu.dma_semaphore, #tpu.memory_space<semaphore_mem>>) src(%dma_wait3A_299 : memref<10240x128xf32, #tpu.memory_space<hbm>>) dst(%arg19 : memref<80x128xf32, #tpu.memory_space<vmem>>)
    %dma_wait3A_300 = arith.constant 0 : i32
    %dma_wait3A_301 = tpu.memref_slice %arg3[%dma_wait3A_300] : memref<10240xf32, #tpu.memory_space<hbm>> -> memref<10240xf32, #tpu.memory_space<hbm>>
    tpu.wait_indirect_dma semaphore(%arg33 : memref<!tpu.dma_semaphore, #tpu.memory_space<semaphore_mem>>) src(%dma_wait3A_301 : memref<10240xf32, #tpu.memory_space<hbm>>) dst(%arg22 : memref<80xf32, #tpu.memory_space<vmem>>)
    %dma_start3A_302 = arith.constant 0 : i32
    %dma_start3A_303 = arith.constant 0 : i32
    %dma_start3A_304 = tpu.memref_slice %arg26[%dma_start3A_302, %dma_start3A_303] : memref<10240x128xf32, #tpu.memory_space<vmem_shared>> -> memref<10240x128xf32, #tpu.memory_space<vmem_shared>>
    tpu.enqueue_indirect_dma source(%arg19 : memref<80x128xf32, #tpu.memory_space<vmem>>) target(%dma_start3A_304 : memref<10240x128xf32, #tpu.memory_space<vmem_shared>>) offsets(%arg13 : memref<80xi32, #tpu.memory_space<vmem>>) semaphore(%arg36 : memref<!tpu.dma_semaphore, #tpu.memory_space<semaphore_mem>>) {add = true}
    %dma_start3A_305 = arith.constant 0 : i32
    %dma_start3A_306 = tpu.memref_slice %arg27[%dma_start3A_305] : memref<10240xf32, #tpu.memory_space<vmem_shared>> -> memref<10240xf32, #tpu.memory_space<vmem_shared>>
    tpu.enqueue_indirect_dma source(%arg22 : memref<80xf32, #tpu.memory_space<vmem>>) target(%dma_start3A_306 : memref<10240xf32, #tpu.memory_space<vmem_shared>>) offsets(%arg13 : memref<80xi32, #tpu.memory_space<vmem>>) semaphore(%arg39 : memref<!tpu.dma_semaphore, #tpu.memory_space<semaphore_mem>>) {add = true}
    %dma_start3A_307 = arith.constant 0 : i32
    %dma_start3A_308 = tpu.memref_slice %arg28[%dma_start3A_307] : memref<10240xf32, #tpu.memory_space<vmem_shared>> -> memref<10240xf32, #tpu.memory_space<vmem_shared>>
    tpu.enqueue_indirect_dma source(%arg24 : memref<80xf32, #tpu.memory_space<vmem>>) target(%dma_start3A_308 : memref<10240xf32, #tpu.memory_space<vmem_shared>>) offsets(%arg13 : memref<80xi32, #tpu.memory_space<vmem>>) semaphore(%arg42 : memref<!tpu.dma_semaphore, #tpu.memory_space<semaphore_mem>>) {add = true}
    %dma_wait3A_309 = arith.constant 0 : i32
    %dma_wait3A_310 = arith.constant 0 : i32
    %dma_wait3A_311 = tpu.memref_slice %arg26[%dma_wait3A_309, %dma_wait3A_310] : memref<10240x128xf32, #tpu.memory_space<vmem_shared>> -> memref<10240x128xf32, #tpu.memory_space<vmem_shared>>
    tpu.wait_indirect_dma semaphore(%arg35 : memref<!tpu.dma_semaphore, #tpu.memory_space<semaphore_mem>>) src(%arg18 : memref<80x128xf32, #tpu.memory_space<vmem>>) dst(%dma_wait3A_311 : memref<10240x128xf32, #tpu.memory_space<vmem_shared>>)
    %dma_wait3A_312 = arith.constant 0 : i32
    %dma_wait3A_313 = tpu.memref_slice %arg27[%dma_wait3A_312] : memref<10240xf32, #tpu.memory_space<vmem_shared>> -> memref<10240xf32, #tpu.memory_space<vmem_shared>>
    tpu.wait_indirect_dma semaphore(%arg38 : memref<!tpu.dma_semaphore, #tpu.memory_space<semaphore_mem>>) src(%arg21 : memref<80xf32, #tpu.memory_space<vmem>>) dst(%dma_wait3A_313 : memref<10240xf32, #tpu.memory_space<vmem_shared>>)
    %dma_wait3A_314 = arith.constant 0 : i32
    %dma_wait3A_315 = tpu.memref_slice %arg28[%dma_wait3A_314] : memref<10240xf32, #tpu.memory_space<vmem_shared>> -> memref<10240xf32, #tpu.memory_space<vmem_shared>>
    tpu.wait_indirect_dma semaphore(%arg41 : memref<!tpu.dma_semaphore, #tpu.memory_space<semaphore_mem>>) src(%arg24 : memref<80xf32, #tpu.memory_space<vmem>>) dst(%dma_wait3A_315 : memref<10240xf32, #tpu.memory_space<vmem_shared>>)
    %dma_wait3A_316 = arith.constant 0 : i32
    %dma_wait3A_317 = arith.constant 0 : i32
    %dma_wait3A_318 = tpu.memref_slice %arg26[%dma_wait3A_316, %dma_wait3A_317] : memref<10240x128xf32, #tpu.memory_space<vmem_shared>> -> memref<10240x128xf32, #tpu.memory_space<vmem_shared>>
    tpu.wait_indirect_dma semaphore(%arg36 : memref<!tpu.dma_semaphore, #tpu.memory_space<semaphore_mem>>) src(%arg19 : memref<80x128xf32, #tpu.memory_space<vmem>>) dst(%dma_wait3A_318 : memref<10240x128xf32, #tpu.memory_space<vmem_shared>>)
    %dma_wait3A_319 = arith.constant 0 : i32
    %dma_wait3A_320 = tpu.memref_slice %arg27[%dma_wait3A_319] : memref<10240xf32, #tpu.memory_space<vmem_shared>> -> memref<10240xf32, #tpu.memory_space<vmem_shared>>
    tpu.wait_indirect_dma semaphore(%arg39 : memref<!tpu.dma_semaphore, #tpu.memory_space<semaphore_mem>>) src(%arg22 : memref<80xf32, #tpu.memory_space<vmem>>) dst(%dma_wait3A_320 : memref<10240xf32, #tpu.memory_space<vmem_shared>>)
    %dma_wait3A_321 = arith.constant 0 : i32
    %dma_wait3A_322 = tpu.memref_slice %arg28[%dma_wait3A_321] : memref<10240xf32, #tpu.memory_space<vmem_shared>> -> memref<10240xf32, #tpu.memory_space<vmem_shared>>
    tpu.wait_indirect_dma semaphore(%arg42 : memref<!tpu.dma_semaphore, #tpu.memory_space<semaphore_mem>>) src(%arg24 : memref<80xf32, #tpu.memory_space<vmem>>) dst(%dma_wait3A_322 : memref<10240xf32, #tpu.memory_space<vmem_shared>>)
    %barrier3A_323 = arith.constant 0 : index
    tpu.barrier barrier_id(%barrier3A_323)
    %mul3A_324 = arith.constant 640 : i32
    %mul3A_325 = arith.muli %arg1, %mul3A_324 : i32
    "tpu.region"() ({
      %run_scoped3A = tpu.sem_alloc : memref<!tpu.dma_semaphore, #tpu.memory_space<semaphore_mem>>
      %dma_start3A_326 = arith.constant 0 : i32
      %dma_start3A_327 = tpu.memref_slice %arg7[%arg0, %mul3A_325, %dma_start3A_326] : memref<2x10240x128xf32, #tpu.memory_space<hbm>> -> memref<1x640x128xf32, #tpu.memory_space<hbm>>
      %dma_start3A_328 = tpu.memref_squeeze %dma_start3A_327 : memref<1x640x128xf32, #tpu.memory_space<hbm>> -> memref<640x128xf32, #tpu.memory_space<hbm>>
      %dma_start3A_329 = arith.constant 0 : i32
      %dma_start3A_330 = tpu.memref_slice %arg26[%mul3A_325, %dma_start3A_329] : memref<10240x128xf32, #tpu.memory_space<vmem_shared>> -> memref<640x128xf32, #tpu.memory_space<vmem_shared>>
      tpu.enqueue_dma source(%dma_start3A_330 : memref<640x128xf32, #tpu.memory_space<vmem_shared>>) target(%dma_start3A_328 : memref<640x128xf32, #tpu.memory_space<hbm>>) target_semaphore(%run_scoped3A : memref<!tpu.dma_semaphore, #tpu.memory_space<semaphore_mem>>)
      %dma_wait3A_331 = arith.constant 0 : i32
      %dma_wait3A_332 = tpu.memref_slice %arg7[%arg0, %mul3A_325, %dma_wait3A_331] : memref<2x10240x128xf32, #tpu.memory_space<hbm>> -> memref<1x640x128xf32, #tpu.memory_space<hbm>>
      %dma_wait3A_333 = tpu.memref_squeeze %dma_wait3A_332 : memref<1x640x128xf32, #tpu.memory_space<hbm>> -> memref<640x128xf32, #tpu.memory_space<hbm>>
      %dma_wait3A_334 = arith.constant 0 : i32
      %dma_wait3A_335 = tpu.memref_slice %arg26[%mul3A_325, %dma_wait3A_334] : memref<10240x128xf32, #tpu.memory_space<vmem_shared>> -> memref<640x128xf32, #tpu.memory_space<vmem_shared>>
      tpu.wait_dma2 semaphore(%run_scoped3A : memref<!tpu.dma_semaphore, #tpu.memory_space<semaphore_mem>>) src(%dma_wait3A_335 : memref<640x128xf32, #tpu.memory_space<vmem_shared>>) dst(%dma_wait3A_333 : memref<640x128xf32, #tpu.memory_space<hbm>>)
      tpu.yield
    }) : () -> ()
    "tpu.region"() ({
      %run_scoped3A = tpu.sem_alloc : memref<!tpu.dma_semaphore, #tpu.memory_space<semaphore_mem>>
      %dma_start3A_326 = tpu.memref_slice %arg8[%arg0, %mul3A_325] : memref<2x10240xf32, #tpu.memory_space<hbm>> -> memref<1x640xf32, #tpu.memory_space<hbm>>
      %dma_start3A_327 = tpu.memref_squeeze %dma_start3A_326 : memref<1x640xf32, #tpu.memory_space<hbm>> -> memref<640xf32, #tpu.memory_space<hbm>>
      %dma_start3A_328 = tpu.memref_slice %arg27[%mul3A_325] : memref<10240xf32, #tpu.memory_space<vmem_shared>> -> memref<640xf32, #tpu.memory_space<vmem_shared>>
      tpu.enqueue_dma source(%dma_start3A_328 : memref<640xf32, #tpu.memory_space<vmem_shared>>) target(%dma_start3A_327 : memref<640xf32, #tpu.memory_space<hbm>>) target_semaphore(%run_scoped3A : memref<!tpu.dma_semaphore, #tpu.memory_space<semaphore_mem>>)
      %dma_wait3A_329 = tpu.memref_slice %arg8[%arg0, %mul3A_325] : memref<2x10240xf32, #tpu.memory_space<hbm>> -> memref<1x640xf32, #tpu.memory_space<hbm>>
      %dma_wait3A_330 = tpu.memref_squeeze %dma_wait3A_329 : memref<1x640xf32, #tpu.memory_space<hbm>> -> memref<640xf32, #tpu.memory_space<hbm>>
      %dma_wait3A_331 = tpu.memref_slice %arg27[%mul3A_325] : memref<10240xf32, #tpu.memory_space<vmem_shared>> -> memref<640xf32, #tpu.memory_space<vmem_shared>>
      tpu.wait_dma2 semaphore(%run_scoped3A : memref<!tpu.dma_semaphore, #tpu.memory_space<semaphore_mem>>) src(%dma_wait3A_331 : memref<640xf32, #tpu.memory_space<vmem_shared>>) dst(%dma_wait3A_330 : memref<640xf32, #tpu.memory_space<hbm>>)
      tpu.yield
    }) : () -> ()
    "tpu.region"() ({
      %run_scoped3A = tpu.sem_alloc : memref<!tpu.dma_semaphore, #tpu.memory_space<semaphore_mem>>
      %dma_start3A_326 = tpu.memref_slice %arg9[%arg0, %mul3A_325] : memref<2x10240xf32, #tpu.memory_space<hbm>> -> memref<1x640xf32, #tpu.memory_space<hbm>>
      %dma_start3A_327 = tpu.memref_squeeze %dma_start3A_326 : memref<1x640xf32, #tpu.memory_space<hbm>> -> memref<640xf32, #tpu.memory_space<hbm>>
      %dma_start3A_328 = tpu.memref_slice %arg28[%mul3A_325] : memref<10240xf32, #tpu.memory_space<vmem_shared>> -> memref<640xf32, #tpu.memory_space<vmem_shared>>
      tpu.enqueue_dma source(%dma_start3A_328 : memref<640xf32, #tpu.memory_space<vmem_shared>>) target(%dma_start3A_327 : memref<640xf32, #tpu.memory_space<hbm>>) target_semaphore(%run_scoped3A : memref<!tpu.dma_semaphore, #tpu.memory_space<semaphore_mem>>)
      %dma_wait3A_329 = tpu.memref_slice %arg9[%arg0, %mul3A_325] : memref<2x10240xf32, #tpu.memory_space<hbm>> -> memref<1x640xf32, #tpu.memory_space<hbm>>
      %dma_wait3A_330 = tpu.memref_squeeze %dma_wait3A_329 : memref<1x640xf32, #tpu.memory_space<hbm>> -> memref<640xf32, #tpu.memory_space<hbm>>
      %dma_wait3A_331 = tpu.memref_slice %arg28[%mul3A_325] : memref<10240xf32, #tpu.memory_space<vmem_shared>> -> memref<640xf32, #tpu.memory_space<vmem_shared>>
      tpu.wait_dma2 semaphore(%run_scoped3A : memref<!tpu.dma_semaphore, #tpu.memory_space<semaphore_mem>>) src(%dma_wait3A_331 : memref<640xf32, #tpu.memory_space<vmem_shared>>) dst(%dma_wait3A_330 : memref<640xf32, #tpu.memory_space<hbm>>)
      tpu.yield
    }) : () -> ()
    return
  }
}

module attributes {stable_mosaic.version = 14 : i64} {
  func.func @_tc_rowsumsq(%arg0: i32, %arg1: memref<1024x128xf32, #tpu.memory_space<vmem>>, %arg2: memref<1024xf32, #tpu.memory_space<vmem>>) attributes {dimension_semantics = [#tpu.dimension_semantics<arbitrary>], iteration_bounds = array<i64: 10>, scalar_prefetch = 0 : i64, scratch_operands = 0 : i64, tpu.core_type = #tpu.core_type<tc>, window_params = [{transform_indices = @transform_0, window_bounds = array<i64: 1024, 128>}, {transform_indices = @transform_1, window_bounds = array<i64: 1024>}]} {
    %get3A = arith.constant 0 : index
    %get3A_0 = arith.constant 0 : index
    %get3A_1 = vector.load %arg1[%get3A, %get3A_0] : memref<1024x128xf32, #tpu.memory_space<vmem>>, vector<1024x128xf32>
    %mul3A = arith.mulf %get3A_1, %get3A_1 : vector<1024x128xf32>
    %reduce_sum3A = arith.constant dense<0.000000e+00> : vector<1024xf32>
    %reduce_sum3A_2 = vector.multi_reduction <add>, %mul3A, %reduce_sum3A [1] : vector<1024x128xf32> to vector<1024xf32>
    %swap3A = arith.constant 0 : index
    %swap3A_3 = vector.load %arg2[%swap3A] : memref<1024xf32, #tpu.memory_space<vmem>>, vector<1024xf32>
    tpu.vector_store %arg2[%swap3A], %reduce_sum3A_2 {strides = array<i32>} : memref<1024xf32, #tpu.memory_space<vmem>>, vector<1024xf32>,
    return
  }
  func.func @transform_0(%arg0: i32) -> (i32, i32) {
    %c0_i32 = arith.constant 0 : i32
    %c0_i32_0 = arith.constant 0 : i32
    return %arg0, %c0_i32 : i32, i32
  }
  func.func @transform_1(%arg0: i32) -> i32 {
    %c0_i32 = arith.constant 0 : i32
    return %arg0 : i32
  }
}

module attributes {stable_mosaic.version = 14 : i64} {
  func.func @_tc_epilogue(%arg0: i32, %arg1: memref<1024x128xf32, #tpu.memory_space<vmem>>, %arg2: memref<2x1024x128xf32, #tpu.memory_space<vmem>>, %arg3: memref<1024xf32, #tpu.memory_space<vmem>>, %arg4: memref<2x1024xf32, #tpu.memory_space<vmem>>, %arg5: memref<2x1024xf32, #tpu.memory_space<vmem>>, %arg6: memref<1024xf32, #tpu.memory_space<vmem>>) attributes {dimension_semantics = [#tpu.dimension_semantics<arbitrary>], iteration_bounds = array<i64: 10>, scalar_prefetch = 0 : i64, scratch_operands = 0 : i64, tpu.core_type = #tpu.core_type<tc>, window_params = [{transform_indices = @transform_0, window_bounds = array<i64: 1024, 128>}, {transform_indices = @transform_1, window_bounds = array<i64: 2, 1024, 128>}, {transform_indices = @transform_2, window_bounds = array<i64: 1024>}, {transform_indices = @transform_3, window_bounds = array<i64: 2, 1024>}, {transform_indices = @transform_4, window_bounds = array<i64: 2, 1024>}, {transform_indices = @transform_5, window_bounds = array<i64: 1024>}]} {
    %get3A = arith.constant 0 : index
    %get3A_0 = arith.constant 0 : index
    %get3A_1 = arith.constant 0 : index
    %get3A_2 = vector.load %arg2[%get3A, %get3A_0, %get3A_1] : memref<2x1024x128xf32, #tpu.memory_space<vmem>>, vector<1x1024x128xf32>
    %get3A_3 = vector.shape_cast %get3A_2 : vector<1x1024x128xf32> to vector<1024x128xf32>
    %get3A_4 = arith.constant 1 : index
    %get3A_5 = arith.constant 0 : index
    %get3A_6 = arith.constant 0 : index
    %get3A_7 = vector.load %arg2[%get3A_4, %get3A_5, %get3A_6] : memref<2x1024x128xf32, #tpu.memory_space<vmem>>, vector<1x1024x128xf32>
    %get3A_8 = vector.shape_cast %get3A_7 : vector<1x1024x128xf32> to vector<1024x128xf32>
    %add3A = arith.addf %get3A_3, %get3A_8 : vector<1024x128xf32>
    %get3A_9 = arith.constant 0 : index
    %get3A_10 = arith.constant 0 : index
    %get3A_11 = vector.load %arg1[%get3A_9, %get3A_10] : memref<1024x128xf32, #tpu.memory_space<vmem>>, vector<1024x128xf32>
    %mul3A = arith.mulf %get3A_11, %add3A : vector<1024x128xf32>
    %reduce_sum3A = arith.constant dense<0.000000e+00> : vector<1024xf32>
    %reduce_sum3A_12 = vector.multi_reduction <add>, %mul3A, %reduce_sum3A [1] : vector<1024x128xf32> to vector<1024xf32>
    %get3A_13 = arith.constant 0 : index
    %get3A_14 = arith.constant 0 : index
    %get3A_15 = vector.load %arg4[%get3A_13, %get3A_14] : memref<2x1024xf32, #tpu.memory_space<vmem>>, vector<1x1024xf32>
    %get3A_16 = vector.shape_cast %get3A_15 : vector<1x1024xf32> to vector<1024xf32>
    %get3A_17 = arith.constant 1 : index
    %get3A_18 = arith.constant 0 : index
    %get3A_19 = vector.load %arg4[%get3A_17, %get3A_18] : memref<2x1024xf32, #tpu.memory_space<vmem>>, vector<1x1024xf32>
    %get3A_20 = vector.shape_cast %get3A_19 : vector<1x1024xf32> to vector<1024xf32>
    %add3A_21 = arith.addf %get3A_16, %get3A_20 : vector<1024xf32>
    %get3A_22 = arith.constant 0 : index
    %get3A_23 = arith.constant 0 : index
    %get3A_24 = vector.load %arg5[%get3A_22, %get3A_23] : memref<2x1024xf32, #tpu.memory_space<vmem>>, vector<1x1024xf32>
    %get3A_25 = vector.shape_cast %get3A_24 : vector<1x1024xf32> to vector<1024xf32>
    %get3A_26 = arith.constant 1 : index
    %get3A_27 = arith.constant 0 : index
    %get3A_28 = vector.load %arg5[%get3A_26, %get3A_27] : memref<2x1024xf32, #tpu.memory_space<vmem>>, vector<1x1024xf32>
    %get3A_29 = vector.shape_cast %get3A_28 : vector<1x1024xf32> to vector<1024xf32>
    %add3A_30 = arith.addf %get3A_25, %get3A_29 : vector<1024xf32>
    %get3A_31 = arith.constant 0 : index
    %get3A_32 = vector.load %arg3[%get3A_31] : memref<1024xf32, #tpu.memory_space<vmem>>, vector<1024xf32>
    %mul3A_33 = arith.mulf %add3A_30, %get3A_32 : vector<1024xf32>
    %add3A_34 = arith.addf %mul3A_33, %add3A_21 : vector<1024xf32>
    %mul3A_35 = arith.constant 2.000000e+00 : f32
    %mul3A_36 = vector.broadcast %mul3A_35 : f32 to vector<1024xf32>
    %mul3A_37 = arith.mulf %mul3A_36, %reduce_sum3A_12 : vector<1024xf32>
    %sub3A = arith.subf %add3A_34, %mul3A_37 : vector<1024xf32>
    %gt3A = arith.constant 0.000000e+00 : f32
    %gt3A_38 = vector.broadcast %gt3A : f32 to vector<1024xf32>
    %gt3A_39 = arith.cmpf ogt, %add3A_30, %gt3A_38 : vector<1024xf32>
    %max3A = arith.constant 1.000000e+00 : f32
    %max3A_40 = vector.broadcast %max3A : f32 to vector<1024xf32>
    %max3A_41 = arith.maximumf %add3A_30, %max3A_40 : vector<1024xf32>
    %div3A = arith.divf %sub3A, %max3A_41 : vector<1024xf32>
    %jit3A = arith.constant 0.000000e+00 : f32
    %broadcast_in_dim3A = vector.broadcast %jit3A : f32 to vector<1024xf32>
    %select_n3A = arith.select %gt3A_39, %div3A, %broadcast_in_dim3A : vector<1024xi1>, vector<1024xf32>
    %tanh3A = math.tanh %select_n3A : vector<1024xf32>
    %swap3A = arith.constant 0 : index
    %swap3A_42 = vector.load %arg6[%swap3A] : memref<1024xf32, #tpu.memory_space<vmem>>, vector<1024xf32>
    tpu.vector_store %arg6[%swap3A], %tanh3A {strides = array<i32>} : memref<1024xf32, #tpu.memory_space<vmem>>, vector<1024xf32>,
    return
  }
  func.func @transform_0(%arg0: i32) -> (i32, i32) {
    %c0_i32 = arith.constant 0 : i32
    %c0_i32_0 = arith.constant 0 : i32
    return %arg0, %c0_i32 : i32, i32
  }
  func.func @transform_1(%arg0: i32) -> (i32, i32, i32) {
    %c0_i32 = arith.constant 0 : i32
    %c0_i32_0 = arith.constant 0 : i32
    %c0_i32_1 = arith.constant 0 : i32
    return %c0_i32, %arg0, %c0_i32_0 : i32, i32, i32
  }
  func.func @transform_2(%arg0: i32) -> i32 {
    %c0_i32 = arith.constant 0 : i32
    return %arg0 : i32
  }
  func.func @transform_3(%arg0: i32) -> (i32, i32) {
    %c0_i32 = arith.constant 0 : i32
    %c0_i32_0 = arith.constant 0 : i32
    return %c0_i32, %arg0 : i32, i32
  }
  func.func @transform_4(%arg0: i32) -> (i32, i32) {
    %c0_i32 = arith.constant 0 : i32
    %c0_i32_0 = arith.constant 0 : i32
    return %c0_i32, %arg0 : i32, i32
  }
  func.func @transform_5(%arg0: i32) -> i32 {
    %c0_i32 = arith.constant 0 : i32
    return %arg0 : i32
  }
}

</mosaic_0001>

<sc_bundles>
// kernel: kernel.5.cloned.1.call-start
scs
__scs_entry_jumppad:
0x0: {  	(pc) =	sbr.rel $0x88, $3  }
0x1: {  	(tag) =	ssettag $0x0;
	lr =	simm.s32 $0x1  }
0x2: {  	[smem:$0x3F9F] =	sst lr;
	_ =	strace $0xD0000000  }
0x3: {  	_ = 	snop  }
0x4: {  	_ = 	snop  }
0x5: {  	_ = 	snop  }
0x6: {  	_ = 	snop  }
0x7: {  	_ = 	snop  }
__scs_overlays_trampoline_lowered:
0x8: {  	[smem:$0x3FAE] =	sst s0  }
0x9: {  	[smem:$0x3FAF] =	sst s1  }
0xa: {  	[smem:$0x3FB0] =	sst s2  }
0xb: {  	[smem:$0x3FB1] =	sst s3  }
0xc: {  	[smem:$0x3FB2] =	sst s4  }
0xd: {  	[smem:$0x3FB3] =	sst s5  }
0xe: {  	[smem:$0x3FB4] =	sst s6  }
0xf: {  	[smem:$0x3FB5] =	sst s7  }
0x10: {  	[smem:$0x3FB6] =	sst s8  }
0x11: {  	[smem:$0x3FB7] =	sst s9;
	s0 =	simm.s32 @!p0 $0x0  }
0x12: {  	s1 =	sld [smem:$0x3F9D];
	s0 =	simm.s32 @p0 $0x1  }
0x13: {  	[smem:$0x3FB8] =	sst s0;
	s0 =	simm.s32 @!p1 $0x0  }
0x14: {  	s2 =	sld [smem:$0x3F9C];
	s0 =	simm.s32 @p1 $0x1  }
0x15: {  	[smem:$0x3FB9] =	sst s0;
	s0 =	simm.s32 @!p2 $0x0  }
0x16: {  	s3 =	sld [smem:$0x3FDB];
	s0 =	simm.s32 @p2 $0x1  }
0x17: {  	s4 =	simm.s32 $0x1BF5;
	[smem:$0x3FBB] =	sst s0  }
0x18: {  	s0 =	sld [smem:$0x3F9E];
	_ =	swait.ge [sflag:s4], $0x0  }
0x19: {  	s7 =	sld [smem:$0x3F9F]  }
0x1a: {  	s8 =	sadd.s32 $0xFFFFE003, lr  }
0x1b: {  	s9 =	sadd.s32 $0xFFFFFEF7, lr;
	s5 =	simm.s32 $0xFFFFFFFF;
	p2 =	slt.u32 s8, $0xFFFFF086  }
0x1c: {  	p1 =	slt.u32 s9, $0xF7A;
	s5 =	simm.s32 @!p2 $0x0  }
0x1d: {  	s5 =	simm.s32 @p1 $0x1;
	p0 =	seq.s32 s7, s2  }
0x1e: {  	s7 =	smul.u32 @!p0 $0xF7A, s2;
	p2 =	seq.s32 @!p0 s5, $0x0  }
0x1f: {  	s9 =	smul.u32 $0xF7A, s1;
	s8 =	simm.s32 @!p0 $0x1BF5;
	p2 =	por !p2, p0  }
0x20: {  	[sflag:s8] =	ssyncset.s32 @!p0 $0xFFFFF086;
	s6 =	sadd.s32 @!p0 s3, s7;
	s7 =	simm.s32 @!p0 $0x108  }
0x21: {  	s3 =	sadd.s32 s3, s9;
	s6 =	sadd.s32 @!p0 $0x88, s6;
	s7 =	simm.s32 @p2 $0x1082  }
0x22: {  	[simem:s7], [sflag:s8] =	dma.local @!p0 [hbm:s6], $0xF7A  }
0x23: {  	s9 =	sor.u32 $0xD0000000, s2;
	s6 =	simm.s32 $0x108;
	_ =	swait.ge @!p0 [sflag:s8], $0x0  }
0x24: {  	s3 =	sadd.s32 $0x88, s3;
	s6 =	simm.s32 @!p1 $0x1082;
	[sflag:s4] =	ssyncset.s32 $0xFFFFF086  }
0x25: {  	[simem:s6], [sflag:s4] =	dma.local [hbm:s3], $0xF7A  }
0x26: {  	[smem:$0x3F9F] =	sst s1;
	(tag) =	ssettag s2;
	_ =	strace s9  }
0x27: {  	s1 =	sld [smem:$0x3FAF]  }
0x28: {  	s2 =	sld [smem:$0x3FB0]  }
0x29: {  	s4 =	sld [smem:$0x3FB2]  }
0x2a: {  	p0 =	seq.s32 s5, $0x0;
	s5 =	sld [smem:$0x3FB3]  }
0x2b: {  	s6 =	sld [smem:$0x3FB4]  }
0x2c: {  	s7 =	sld [smem:$0x3FB5]  }
0x2d: {  	s3 =	simm.s32 $0x108;
	s8 =	sld [smem:$0x3FB6]  }
0x2e: {  	s3 =	simm.s32 @!p0 $0x1082;
	s9 =	sld [smem:$0x3FB7]  }
0x2f: {  	lr =	sadd.s32 s0, s3;
	s0 =	sld [smem:$0x3FAE]  }
0x30: {  	s3 =	sld [smem:$0x3FB1]  }
0x31: {  	[smem:$0x3FBA] =	sst s10  }
0x32: {  	s10 =	sld [smem:$0x3FB8];
	_ =	sdelay $0x3  }
0x33: {  	p0 =	seq.s32 s10, $0x1;
	s10 =	sld [smem:$0x3FBA];
	_ =	sdelay $0x3  }
0x34: {  	[smem:$0x3FBA] =	sst s10  }
0x35: {  	s10 =	sld [smem:$0x3FB9];
	_ =	sdelay $0x3  }
0x36: {  	p1 =	seq.s32 s10, $0x1;
	s10 =	sld [smem:$0x3FBA];
	_ =	sdelay $0x3  }
0x37: {  	[smem:$0x3FBA] =	sst s10  }
0x38: {  	s10 =	sld [smem:$0x3FBB]  }
0x39: {  	_ = 	snop;
	(pc) =	sbr.ind lr, $3  }
0x3a: {  	_ = 	snop  }
0x3b: {  	_ = 	snop  }
0x3c: {  	p2 =	seq.s32 s10, $0x1;
	s10 =	sld [smem:$0x3FBA]  }
0x3d: {  	_ =	shalt  }
0x3e: {  	_ =	shalt  }
0x3f: {  	_ =	shalt  }
0x40: {  	_ =	shalt  }
0x41: {  	_ =	shalt  }
0x42: {  	_ =	shalt  }
0x43: {  	_ =	shalt  }
0x44: {  	_ =	shalt  }
0x45: {  	_ =	shalt  }
0x46: {  	_ =	shalt  }
0x47: {  	_ =	shalt  }
0x48: {  	_ =	shalt  }
0x49: {  	_ =	shalt  }
0x4a: {  	_ =	shalt  }
0x4b: {  	_ =	shalt  }
0x4c: {  	_ =	shalt  }
0x4d: {  	_ =	shalt  }
0x4e: {  	_ =	shalt  }
0x4f: {  	_ =	shalt  }
0x50: {  	_ =	shalt  }
0x51: {  	_ =	shalt  }
0x52: {  	_ =	shalt  }
0x53: {  	_ =	shalt  }
0x54: {  	_ =	shalt  }
0x55: {  	_ =	shalt  }
0x56: {  	_ =	shalt  }
0x57: {  	_ =	shalt  }
0x58: {  	_ =	shalt  }
0x59: {  	_ =	shalt  }
0x5a: {  	_ =	shalt  }
0x5b: {  	_ =	shalt  }
0x5c: {  	_ =	shalt  }
0x5d: {  	_ =	shalt  }
0x5e: {  	_ =	shalt  }
0x5f: {  	_ =	shalt  }
0x60: {  	_ =	shalt  }
0x61: {  	_ =	shalt  }
0x62: {  	_ =	shalt  }
0x63: {  	_ =	shalt  }
0x64: {  	_ =	shalt  }
0x65: {  	_ =	shalt  }
0x66: {  	_ =	shalt  }
0x67: {  	_ =	shalt  }
0x68: {  	_ =	shalt  }
0x69: {  	_ =	shalt  }
0x6a: {  	_ =	shalt  }
0x6b: {  	_ =	shalt  }
0x6c: {  	_ =	shalt  }
0x6d: {  	_ =	shalt  }
0x6e: {  	_ =	shalt  }
0x6f: {  	_ =	shalt  }
0x70: {  	_ =	shalt  }
0x71: {  	_ =	shalt  }
0x72: {  	_ =	shalt  }
0x73: {  	_ =	shalt  }
0x74: {  	_ =	shalt  }
0x75: {  	_ =	shalt  }
0x76: {  	_ =	shalt  }
0x77: {  	_ =	shalt  }
0x78: {  	_ =	shalt  }
0x79: {  	_ =	shalt  }
0x7a: {  	_ =	shalt  }
0x7b: {  	_ =	shalt  }
0x7c: {  	_ =	shalt  }
0x7d: {  	_ =	shalt  }
0x7e: {  	_ =	shalt  }
0x7f: {  	_ =	shalt  }
0x80: {  	_ =	shalt  }
0x81: {  	_ =	shalt  }
0x82: {  	_ =	shalt  }
0x83: {  	_ =	shalt  }
0x84: {  	_ =	shalt  }
0x85: {  	_ =	shalt  }
0x86: {  	_ =	shalt  }
0x87: {  	_ =	shalt  }
.Lfunc_end0:
.L_simem_size_0:
called_computation_lowered:
.L_overlay_start_0:
0x88: {  	s2 =	sld [smem:$0x3FD9]  }
0x89: {  	s3 =	sld [smem:$0x3FFE];
	_ =	sdelay $0x1  }
0x8a: {  	s1 =	srdreg.scid  }
0x8b: {  	s0 =	sand.u32 $0x1, s1  }
0x8c: {  	s17 =	sshll.u32 s0, $0xA;
	s2 =	sadd.s32 s3, s2  }
0x8d: {  	s2 =	sadd.s32 s2, s17  }
0x8e: {  	[smem:$0x3FC6] =	sst s2  }
0x8f: {  	_ = 	snop  }
0x90: {  	s2 =	sld [smem:$0x3FD0];
	(tm) =	ssettm $0x1  }
0x91: {  	s18 =	sld [smem:$0x3FFB];
	_ =	sdelay $0x3  }
0x92: {  	_ =	strace s18  }
0x93: {  	s3 =	sld [smem:$0x3FFC];
	_ =	sdelay $0x3  }
0x94: {  	_ =	strace s3  }
0x95: {  	s3 =	sld [smem:$0x3FFD];
	_ =	sdelay $0x3  }
0x96: {  	_ =	strace s3  }
0x97: {  	_ =	strace $0x8FFFFFFF  }
0x98: {  	s19 =	sld [smem:$0x3FDB];
	_ =	sdelay $0x1  }
0x99: {  	s4 =	simm.s32 $_scs_section_size  }
0x9a: {  	s5 =	simm.s32 $_size__tile_overlayer_lowered;
	s6 =	simm.s32 $_tile_overlayer_lowered  }
0x9b: {  	s22 =	simm.s32 $0x1BFF;
	s21 =	sshll.u32 s6, $0x1;
	s3 =	sadd.s32 s4, s19  }
0x9c: {  	s7 =	simm.s32 $0x0;
	s20 =	sshll.u32 s5, $0x1;
	s5 =	sadd.s32 s21, s3  }
0x9d: {  	[timem:s7], [sflag:s22] =	dma.local [hbm:s5], s20  }
0x9e: {  	_ =	swait.ge [sflag:s22], s20  }
0x9f: {  	s4 =	ssub.s32 $0x0, s20;
	[sflag:s22] =	ssyncset.done $0x0  }
0xa0: {  	[sflag:s22] =	ssyncadd.s32 s4;
	_ =	sdelay $0x1  }
0xa1: {  	s23 =	simm.s32 $0x1B8B  }
0xa2: {  	_ =	swait.ge [sflag:s23], $0x1  }
0xa3: {  	[sflag:s23] =	ssyncset.done $0x0  }
0xa4: {  	s25 =	simm.s32 $0x1B8E;
	s24 =	sld [smem:$0x3FFE];
	[sflag:s23] =	ssyncadd.s32 $0xFFFFFFFF  }
0xa5: {  	s26 =	simm.s32 $execute0_lowered;
	[smem:$0x3FD2] =	sst s25  }
0xa6: {  	s5 =	sshll.u32 s26, $0x1;
	_ =	strace $0x80000046;
	[dreg:$0x1] =	wrdreg $0xFFFFFFFF  }
0xa7: {  	s28 =	simm.s32 $_size_execute0_lowered;
	s3 =	sadd.s32 s3, s5;
	[dreg:$0x0] =	wrdreg $0x0  }
0xa8: {  	s5 =	sshll.u32 s28, $0x1;
	[dreg:$0x2] =	wrdreg s3  }
0xa9: {  	[dreg:$0x3] =	wrdreg s5  }
0xaa: {  	[dreg:$0x4] =	wrdreg $0xC0  }
0xab: {  	_ =	task [dreg:s7], $0x5FFFF  }
0xac: {  	[dreg:$0x1] =	wrdreg $0xFFFFFFFF  }
0xad: {  	[dreg:$0x0] =	wrdreg $0x60  }
0xae: {  	[dreg:$0x2] =	wrdreg s24  }
0xaf: {  	[dreg:$0x3] =	wrdreg s2  }
0xb0: {  	[dreg:$0x4] =	wrdreg $0x8F800  }
0xb1: {  	[dreg:$0x5] =	wrdreg $0x1CF800  }
0xb2: {  	[dreg:$0x6] =	wrdreg $0x1D2000  }
0xb3: {  	[dreg:$0x7] =	wrdreg $0x9  }
0xb4: {  	_ =	task.clear_ibuf [dreg:s7], $0x8FFFF;
	_ =	strace $0x90000046  }
0xb5: {  	s29 =	simm.s32 $0x9;
	_ =	strace $0x80000048  }
0xb6: {  	_ =	swait.ge [sflag:s29], $0x1  }
0xb7: {  	[sflag:s29] =	ssyncadd.s32 $0xFFFFFFFF  }
0xb8: {  	_ =	strace $0x90000048  }
0xb9: {  	_ =	sfence  }
0xba: {  	s30 =	sld [smem:$0x0];
	_ =	sdelay $0x2  }
0xbb: {  	s31 =	sshll.u32 s1, $0xD;
	s1 =	sshrl.u32 s1, $0x2  }
0xbc: {  	s3 =	sand.u32 $0x4000, s31;
	s1 =	sadd.s32 s1, s30  }
0xbd: {  	s0 =	sor.u32 s3, s0;
	s1 =	sshll.u32 s1, $0x11  }
0xbe: {  	s0 =	sor.u32 s1, s0  }
0xbf: {  	s0 =	sadd.s32 $0x8F2B, s0  }
0xc0: {  	[sflag:s0] =	ssyncadd.remote.s32 $0x1  }
0xc1: {  	_ =	sfence.sel $0xFFFF  }
0xc2: {  	[dreg:$0x0] =	wrdreg $0xFFFFFFFF;
	(pc) =	sbr.abs _section_cstart, $3  }
0xc3: {  	[dreg:$0x1] =	wrdreg $0xFFFFFFFF  }
0xc4: {  	_ =	task.clear_ibuf [dreg:s7], $0x2FFFF;
	_ =	strace $0x9FFFFFFF  }
0xc5: {  	(tm) =	ssettm $0x7FFFFFFF  }
tec
execute0_lowered:
.L_overlay_start_1:
0x0: {  	(tag) =	ssettag $0x1  }
0x1: {  	s2 =	rddreg [dreg:$0x0]  }
0x2: {  	s1 =	rddreg [dreg:$0x2]  }
0x3: {  	s4 =	rddreg [dreg:$0x3]  }
0x4: {  	s3 =	srdreg.scid;
	s0 =	stileid.u32  }
0x5: {  	s5 =	rddreg [dreg:$0x4];
	s7 =	simm.s32 $0x0;
	s8 =	smul.u32 $0x14000, s0  }
0x6: {  	s3 =	sand.u32 $0x1, s3;
	[smem:$0x7FF] =	sst s7;
	s28 =	smul.u32 $0x500, s0  }
0x7: {  	s7 =	sadd.s32 $0x15200, s2;
	s15 =	sadd.s32 $0xB400, s2;
	s11 =	smul.u32 $0x280, s0  }
0x8: {  	s16 =	sadd.s32 $0x1600, s2;
	s26 =	sadd.s32 $0x3D200, s2;
	s30 =	smul.u32 $0x50000, s0  }
0x9: {  	s10 =	sshll.u32 s0, $0x1;
	s13 =	smul.u32 $0x4E20, s0;
	s14 =	sshll.u32 s0, $0x6  }
0xa: {  	s6 =	smul.u32 $0x140000, s3;
	_ =	strace $0x80000047;
	[dreg:$0xc] =	wrdreg s26  }
0xb: {  	s9 =	sshll.u32 s3, $0x7;
	s29 =	sor.u32 s3, s10;
	s12 =	ssub.s32 $0x2, s3  }
0xc: {  	s3 =	smul.u32 $0x2710, s3;
	s22 =	sor.u32 $0x1C10, s14;
	[dreg:$0xb] =	wrdreg s16  }
0xd: {  	[dreg:$0xa] =	wrdreg s15;
	s31 =	sshrl.u32 s12, $0x1;
	s10 =	sshrl.u32 s30, $0x2  }
0xe: {  	s23 =	sadd.s32 s11, s4;
	s26 =	sadd.s32 s11, s5;
	[dreg:$0xe] =	wrdreg s22  }
0xf: {  	s6 =	sadd.s32 s8, s6;
	s8 =	sor.u32 s9, s28;
	s9 =	smul.u32 $0x2710, s29  }
0x10: {  	s10 =	sadd.s32 s10, s1;
	s3 =	sadd.s32 s3, s13;
	[dreg:$0xf] =	wrdreg s23  }
0x11: {  	[dreg:$0x10] =	wrdreg s26;
	s6 =	sshrl.u32 s6, $0x3;
	s8 =	sshrl.u32 s8, $0x3  }
0x12: {  	[dreg:$0xd] =	wrdreg s10;
	s6 =	sadd.s32 s6, s2;
	s2 =	sadd.s32 s8, s2  }
0x13: {  	s8 =	ssub.s32 s12, s31;
	s9 =	sshrl.u32 s9, $0x3;
	s31 =	sadd.s32 $0xF0, s3  }
0x14: {  	s12 =	sadd.s32 s15, s9;
	[dreg:$0x17] =	wrdreg s31  }
0x15: {  	s14 =	sadd.s32 s16, s9;
	[dreg:$0x11] =	wrdreg s12  }
0x16: {  	s13 =	sadd.s32 $0xA0, s3;
	s17 =	sadd.s32 $0x3FA00, s6;
	[dreg:$0x12] =	wrdreg s14  }
0x17: {  	s18 =	sshrl.u32 s13, $0x3;
	s19 =	sadd.s32 $0x8FA00, s2;
	[dreg:$0x13] =	wrdreg s17  }
0x18: {  	s1 =	simm.s32 $0x0;
	s20 =	sadd.s32 s18, s16;
	[dreg:$0x14] =	wrdreg s19  }
0x19: {  	s21 =	sadd.s32 $0x50, s3;
	s25 =	sadd.s32 $0x90400, s2;
	[dreg:$0x6] =	wrdreg s20  }
0x1a: {  	s24 =	sshrl.u32 s21, $0x3;
	s6 =	sadd.s32 s18, s15;
	[dreg:$0x15] =	wrdreg s25  }
0x1b: {  	s3 =	simm.s32 $0x10;
	s29 =	smax.u32 s8, $0x1;
	[dreg:$0x7] =	wrdreg s6  }
0x1c: {  	s13 =	simm.s32 $0xD;
	s28 =	sadd.s32 s24, s16;
	[dreg:$0x16] =	wrdreg s29  }
0x1d: {  	s21 =	simm.s32 $0x6;
	s30 =	sadd.s32 s24, s15;
	[dreg:$0x8] =	wrdreg s28  }
0x1e: {  	[dreg:$0x9] =	wrdreg s30;
	s25 =	simm.s32 $0x50;
	s19 =	simm.s32 $0x7  }
0x1f: {  	v0 =	vimm.f32 $1.000000000e+00;
	v1 =	vimm.f32 $0.0e+00;
	s20 =	simm.s32 $0xA;
	s14 =	simm.s32 $0x3;
	s12 =	simm.s32 $0x1100  }
.LBB2_1:
0x20: {  	[tilespmem:$0x8C80] =	vst v0  }
0x21: {  	[tilespmem:$0x8C90] =	vst v0  }
0x22: {  	[tilespmem:$0x8CA0] =	vst v0  }
0x23: {  	[tilespmem:$0x8CB0] =	vst v0  }
0x24: {  	[tilespmem:$0x8CC0] =	vst v0  }
0x25: {  	[tilespmem:$0x8D00] =	vst v1  }
0x26: {  	[tilespmem:$0x8D10] =	vst v1  }
0x27: {  	[tilespmem:$0x8D20] =	vst v1  }
0x28: {  	[tilespmem:$0x8D30] =	vst v1  }
0x29: {  	[tilespmem:$0x8D40] =	vst v1  }
0x2a: {  	[tilespmem:$0x8D50] =	vst v1  }
0x2b: {  	[tilespmem:$0x8D60] =	vst v1  }
0x2c: {  	[tilespmem:$0x8D70] =	vst v1  }
0x2d: {  	[tilespmem:$0x8D80] =	vst v1  }
0x2e: {  	[tilespmem:$0x8D90] =	vst v1  }
0x2f: {  	[tilespmem:$0x8DA0] =	vst v1  }
0x30: {  	[tilespmem:$0x8DB0] =	vst v1  }
0x31: {  	[tilespmem:$0x8DC0] =	vst v1  }
0x32: {  	[tilespmem:$0x8DD0] =	vst v1  }
0x33: {  	[tilespmem:$0x8DE0] =	vst v1  }
0x34: {  	[tilespmem:$0x8DF0] =	vst v1  }
0x35: {  	[tilespmem:$0x8E00] =	vst v1  }
0x36: {  	[tilespmem:$0x8E10] =	vst v1  }
0x37: {  	[tilespmem:$0x8E20] =	vst v1  }
0x38: {  	[tilespmem:$0x8E30] =	vst v1  }
0x39: {  	[tilespmem:$0x8E40] =	vst v1  }
0x3a: {  	[tilespmem:$0x8E50] =	vst v1  }
0x3b: {  	[tilespmem:$0x8E60] =	vst v1  }
0x3c: {  	[tilespmem:$0x8E70] =	vst v1  }
0x3d: {  	[tilespmem:$0x8E80] =	vst v1  }
0x3e: {  	[tilespmem:$0x8E90] =	vst v1  }
0x3f: {  	[tilespmem:$0x8EA0] =	vst v1  }
0x40: {  	[tilespmem:$0x8EB0] =	vst v1  }
0x41: {  	[tilespmem:$0x8EC0] =	vst v1  }
0x42: {  	[tilespmem:$0x8ED0] =	vst v1  }
0x43: {  	[tilespmem:$0x8EE0] =	vst v1  }
0x44: {  	[tilespmem:$0x8EF0] =	vst v1  }
0x45: {  	[tilespmem:$0x8F00] =	vst v1  }
0x46: {  	[tilespmem:$0x8F10] =	vst v1  }
0x47: {  	[tilespmem:$0x8F20] =	vst v1  }
0x48: {  	[tilespmem:$0x8F30] =	vst v1  }
0x49: {  	[dreg:$0x18] =	wrdreg s1;
	[tilespmem:$0x8F40] =	vst v1  }
0x4a: {  	[tilespmem:$0x8F50] =	vst v1;
	s0 =	rddreg [dreg:$0xd]  }
0x4b: {  	[tilespmem:$0x8F60] =	vst v1;
	s4 =	rddreg [dreg:$0xc];
	s2 =	sshrl.u32 s0, $0x3  }
0x4c: {  	[tilespmem:$0x8F70] =	vst v1;
	[dreg:$0x19] =	wrdreg s2  }
0x4d: {  	[spmem:s2], [sflag:s22] =	dma.local [hbm:s4], $0x2800  }
0x4e: {  	_ =	swait.ge [sflag:s3], $0x2800  }
0x4f: {  	[sflag:s3] =	ssyncset.done $0x0  }
0x50: {  	s5 =	simm.s32 $0x8D00;
	[sflag:s3] =	ssyncadd.s32 $0xFFFFD800  }
0x51: {  	[spmem:s23] =	stream.linear.scatter [tilespmem:s5], [sflag:$0x10], $0x280, $0x38;
	[tilespmem:$0x1D480] =	vst v63  }
0x52: {  	_ =	swait.ge [sflag:s3], $0x280  }
0x53: {  	[sflag:s3] =	ssyncset.done $0x0  }
0x54: {  	[sflag:s3] =	ssyncadd.s32 $0xFFFFFD80  }
0x55: {  	[spmem:s26] =	stream.linear.scatter [tilespmem:s5], [sflag:$0x10], $0x280, $0x38;
	[tilespmem:$0x1D480] =	vst v63  }
0x56: {  	_ =	swait.ge [sflag:s3], $0x280  }
0x57: {  	[sflag:s3] =	ssyncset.done $0x0  }
0x58: {  	[sflag:s3] =	ssyncadd.s32 $0xFFFFFD80  }
0x59: {  	[bflag:$0x0] =	sbarrier.arrive $0xFFFF  }
0x5a: {  	s6 =	simm.s32 $0x0;
	s2 =	rddreg [dreg:$0x11]  }
0x5b: {  	[tilespmem:s6], [sflag:$0x10] =	stream.linear.gather [hbm4b:s2+s6], $0x7D0, $0x38;
	[tilespmem:$0x1D480] =	vst v63  }
0x5c: {  	_ =	swait.ge [sflag:s3], $0x7D0  }
0x5d: {  	[sflag:s3] =	ssyncset.done $0x0  }
0x5e: {  	s8 =	simm.s32 $0x800;
	s9 =	rddreg [dreg:$0x12];
	[sflag:s3] =	ssyncadd.s32 $0xFFFFF830  }
0x5f: {  	[tilespmem:s8], [sflag:$0x10] =	stream.linear.gather [hbm4b:s9+s6], $0x7D0, $0x38;
	[tilespmem:$0x1D480] =	vst v63  }
0x60: {  	_ =	swait.ge [sflag:s3], $0x7D0  }
0x61: {  	[sflag:s3] =	ssyncset.done $0x0  }
0x62: {  	[sflag:s3] =	ssyncadd.s32 $0xFFFFF830  }
0x63: {  	v2 =	vld [tilespmem:$0x0]  }
0x64: {  	v3 =	vld [tilespmem:$0x800]  }
0x65: {  	v4 =	vld [tilespmem:$0x10]  }
0x66: {  	v5 =	vld [tilespmem:$0x810]  }
0x67: {  	v6 =	vld [tilespmem:$0x20]  }
0x68: {  	v61 =	vld [tilespmem:$0x830];
	[tilespmem:$0x1000] =	vst v2  }
0x69: {  	v62 =	vld [tilespmem:$0x40];
	[tilespmem:$0x1180] =	vst v3  }
0x6a: {  	v63 =	vld [tilespmem:$0x840];
	[tilespmem:$0x1010] =	vst v4  }
0x6b: {  	v2 =	vld [tilespmem:$0x820];
	[tilespmem:$0x1190] =	vst v5  }
0x6c: {  	v3 =	vld [tilespmem:$0x30];
	[tilespmem:$0x1020] =	vst v6  }
0x6d: {  	[tilespmem:$0x11B0] =	vst v61  }
0x6e: {  	p0 =	por $0x1, $0x1;
	[tilespmem:$0x1040] =	vst v62  }
0x6f: {  	p1 =	por p0, p0;
	[tilespmem:$0x11C0] =	vst v63  }
0x70: {  	s16 =	simm.s32 $0x1180;
	s3 =	simm.s32 @!p1 $0x1;
	[tilespmem:$0x11A0] =	vst v2  }
0x71: {  	s1 =	simm.s32 $0x1300;
	s23 =	simm.s32 $0x8B00;
	s3 =	sand.u32 @!p1 $0xFF, s3;
	[tilespmem:$0x1030] =	vst v3  }
0x72: {  	[tilespmem:s1], [sflag:$0x1] =	stream.indirect.gather [hbm4b:s7+s25], $0x80, s16, s25, $0xb8;
	[tilespmem:$0x1D480] =	vst v63  }
0x73: {  	s2 =	simm.s32 @!p1 $0x8;
	s0 =	rddreg [dreg:$0x1];
	s3 =	smul.u32 @!p1 $0x29, s3  }
0x74: {  	[tilespmem:s23], [sflag:$0x4] =	stream.indirect.gather [hbm4b:s0+s25], $0x1, s16, s25, $0xb8;
	[tilespmem:$0x1D480] =	vst v63  }
0x75: {  	s3 =	sshrl.u32 @!p1 s3, $0xA;
	_ =	swait.ge @!p1 [sflag:s2], $0x2800  }
0x76: {  	s3 =	smul.u32 @!p1 $0x19, s3;
	[sflag:s2] =	ssyncset.done @!p1 $0x0  }
0x77: {  	[sflag:s2] =	ssyncadd.s32 @!p1 $0xFFFFD800;
	s2 =	simm.s32 @!p1 $0xB  }
0x78: {  	s3 =	ssub.s32 @!p1 $0x1, s3;
	_ =	swait.ge @!p1 [sflag:s2], $0x50  }
0x79: {  	s3 =	sand.u32 @!p1 $0xFF, s3;
	[sflag:s2] =	ssyncset.done @!p1 $0x0  }
0x7a: {  	p3 =	sne.s32 @!p1 s3, $0x0;
	[sflag:s2] =	ssyncadd.s32 @!p1 $0xFFFFFFB0;
	s2 =	simm.s32 @!p1 $0xE  }
0x7b: {  	p2 =	por p3, p1;
	_ =	swait.ge @!p1 [sflag:s2], $0x50  }
0x7c: {  	s9 =	simm.s32 @!p2 $0x0;
	s8 =	rddreg [dreg:$0x9];
	[sflag:s2] =	ssyncset.done @!p1 $0x0  }
0x7d: {  	s22 =	simm.s32 @!p2 $0x10;
	s8 =	sadd.s32 @!p2 $0x0, s8;
	[sflag:s2] =	ssyncadd.s32 @!p1 $0xFFFFFFB0  }
0x7e: {  	[tilespmem:s9], [sflag:$0x10] =	stream.linear.gather @!p2 [hbm4b:s8+s9], $0x7D0, $0x38;
	[tilespmem:$0x1D480] =	vst v63  }
0x7f: {  	p3 =	por !p3, p1;
	_ =	swait.ge @!p2 [sflag:s22], $0x7D0  }
0x80: {  	s3 =	simm.s32 @p3 $0x0;
	s2 =	rddreg [dreg:$0x8];
	[sflag:s22] =	ssyncset.done @!p2 $0x0  }
0x81: {  	s8 =	simm.s32 @!p2 $0x800;
	[sflag:s22] =	ssyncadd.s32 @!p2 $0xFFFFF830;
	s2 =	sadd.s32 @!p2 $0x0, s2  }
0x82: {  	[tilespmem:s8], [sflag:$0x10] =	stream.linear.gather @!p2 [hbm4b:s2+s9], $0x7D0, $0x38;
	[tilespmem:$0x1D480] =	vst v63  }
0x83: {  	s3 =	simm.s32 @p1 $0x1;
	_ =	swait.ge @!p2 [sflag:s22], $0x7D0  }
0x84: {  	s10 =	smul.u32 $0x50, s3;
	[sflag:s22] =	ssyncset.done @!p2 $0x0  }
0x85: {  	[sflag:s22] =	ssyncadd.s32 @!p2 $0xFFFFF830  }
0x86: {  	v2 =	vld [tilespmem:s10+$0x0];
	_ =	sdelay $0x4  }
0x87: {  	[tilespmem:$0x1080] =	vst v2  }
0x88: {  	v2 =	vld [tilespmem:s10+$0x800];
	_ =	sdelay $0x4  }
0x89: {  	[tilespmem:$0x1200] =	vst v2  }
0x8a: {  	v2 =	vld [tilespmem:s10+$0x10];
	_ =	sdelay $0x4  }
0x8b: {  	[tilespmem:$0x1090] =	vst v2  }
0x8c: {  	v2 =	vld [tilespmem:s10+$0x810];
	_ =	sdelay $0x4  }
0x8d: {  	[tilespmem:$0x1210] =	vst v2  }
0x8e: {  	v2 =	vld [tilespmem:s10+$0x20];
	_ =	sdelay $0x4  }
0x8f: {  	[tilespmem:$0x10A0] =	vst v2  }
0x90: {  	v2 =	vld [tilespmem:s10+$0x820];
	_ =	sdelay $0x4  }
0x91: {  	[tilespmem:$0x1220] =	vst v2  }
0x92: {  	v2 =	vld [tilespmem:s10+$0x30];
	_ =	sdelay $0x4  }
0x93: {  	[tilespmem:$0x10B0] =	vst v2  }
0x94: {  	v2 =	vld [tilespmem:s10+$0x830];
	_ =	sdelay $0x4  }
0x95: {  	[tilespmem:$0x1230] =	vst v2  }
0x96: {  	v2 =	vld [tilespmem:s10+$0x40];
	_ =	sdelay $0x4  }
0x97: {  	[tilespmem:$0x10C0] =	vst v2  }
0x98: {  	v2 =	vld [tilespmem:s10+$0x840];
	_ =	sdelay $0x4  }
0x99: {  	s11 =	simm.s32 $0x1200;
	s6 =	simm.s32 $0x3B00;
	[tilespmem:$0x1240] =	vst v2  }
0x9a: {  	[tilespmem:s6], [sflag:$0x2] =	stream.indirect.gather [hbm4b:s7+s25], $0x80, s11, s25, $0xb8;
	[tilespmem:$0x1D480] =	vst v63  }
0x9b: {  	s15 =	simm.s32 $0x1;
	s10 =	simm.s32 $0x8B80  }
0x9c: {  	[tilespmem:s10], [sflag:$0x5] =	stream.indirect.gather [hbm4b:s0+s25], $0x1, s11, s25, $0xb8;
	[tilespmem:$0x1D480] =	vst v63  }
0x9d: {  	_ =	swait.ge [sflag:s15], $0x2800  }
0x9e: {  	[sflag:s15] =	ssyncset.done $0x0  }
0x9f: {  	s17 =	simm.s32 $0x4;
	[sflag:s15] =	ssyncadd.s32 $0xFFFFD800  }
0xa0: {  	_ =	swait.ge [sflag:s17], $0x50  }
0xa1: {  	[sflag:s17] =	ssyncset.done $0x0  }
0xa2: {  	s2 =	simm.s32 @!p0 $0x2;
	[sflag:s17] =	ssyncadd.s32 $0xFFFFFFB0  }
0xa3: {  	s18 =	simm.s32 $0x1000;
	s2 =	sand.u32 @!p0 $0xFF, s2;
	s4 =	rddreg [dreg:$0x2]  }
0xa4: {  	[spmem:s4] =	stream.indirect.scatter.add.f32 [tilespmem:s1], [sflag:$0x7], $0x80, s18, s25, $0xb8;
	[tilespmem:$0x1D480] =	vst v63  }
0xa5: {  	s3 =	simm.s32 @!p1 $0x9;
	s2 =	smul.u32 @!p0 $0x29, s2;
	s5 =	rddreg [dreg:$0x3]  }
0xa6: {  	[spmem:s5] =	stream.indirect.scatter.add.f32 [tilespmem:s23], [sflag:$0xA], $0x1, s18, s25, $0xb8;
	[tilespmem:$0x1D480] =	vst v63  }
0xa7: {  	s2 =	sshrl.u32 @!p0 s2, $0xA;
	s11 =	simm.s32 $0x8C80;
	s15 =	rddreg [dreg:$0x4]  }
0xa8: {  	[spmem:s15] =	stream.indirect.scatter.add.f32 [tilespmem:s11], [sflag:$0xD], $0x1, s18, s25, $0xb8;
	[tilespmem:$0x1D480] =	vst v63  }
0xa9: {  	s2 =	smul.u32 @!p0 $0x19, s2;
	_ =	swait.ge @!p1 [sflag:s3], $0x2800  }
0xaa: {  	[sflag:s3] =	ssyncset.done @!p1 $0x0  }
0xab: {  	s8 =	simm.s32 @!p1 $0xC;
	s2 =	ssub.s32 @!p0 $0x2, s2;
	[sflag:s3] =	ssyncadd.s32 @!p1 $0xFFFFD800  }
0xac: {  	s2 =	sand.u32 @!p0 $0xFF, s2;
	_ =	swait.ge @!p1 [sflag:s8], $0x50  }
0xad: {  	p3 =	sne.s32 @!p0 s2, $0x0;
	[sflag:s8] =	ssyncset.done @!p1 $0x0  }
0xae: {  	p6 =	por p3, p3;
	s3 =	simm.s32 @!p1 $0xF;
	[sflag:s8] =	ssyncadd.s32 @!p1 $0xFFFFFFB0  }
0xaf: {  	p2 =	por p6, p1;
	_ =	swait.ge @!p1 [sflag:s3], $0x50  }
0xb0: {  	s9 =	simm.s32 @!p2 $0x10;
	s8 =	rddreg [dreg:$0x7];
	[sflag:s3] =	ssyncset.done @!p1 $0x0  }
0xb1: {  	[sflag:s3] =	ssyncadd.s32 @!p1 $0xFFFFFFB0;
	s3 =	simm.s32 @!p2 $0x0;
	s8 =	sadd.s32 @!p2 $0x0, s8  }
0xb2: {  	[tilespmem:s3], [sflag:$0x10] =	stream.linear.gather @!p2 [hbm4b:s8+s3], $0x7D0, $0x38;
	[tilespmem:$0x1D480] =	vst v63  }
0xb3: {  	s22 =	simm.s32 @!p2 $0x800;
	_ =	swait.ge @!p2 [sflag:s9], $0x7D0  }
0xb4: {  	p1 =	por !p3, p0;
	s8 =	rddreg [dreg:$0x6];
	[sflag:s9] =	ssyncset.done @!p2 $0x0  }
0xb5: {  	s2 =	simm.s32 @p1 $0x0;
	[sflag:s9] =	ssyncadd.s32 @!p2 $0xFFFFF830;
	s8 =	sadd.s32 @!p2 $0x0, s8  }
0xb6: {  	[tilespmem:s22], [sflag:$0x10] =	stream.linear.gather @!p2 [hbm4b:s8+s3], $0x7D0, $0x38;
	[tilespmem:$0x1D480] =	vst v63  }
0xb7: {  	s2 =	simm.s32 @p0 $0x2;
	_ =	swait.ge @!p2 [sflag:s9], $0x7D0  }
0xb8: {  	s2 =	smul.u32 $0x50, s2;
	[sflag:s9] =	ssyncset.done @!p2 $0x0  }
0xb9: {  	[sflag:s9] =	ssyncadd.s32 @!p2 $0xFFFFF830  }
0xba: {  	v2 =	vld [tilespmem:s2+$0x0];
	_ =	sdelay $0x4  }
0xbb: {  	[tilespmem:$0x1100] =	vst v2  }
0xbc: {  	v2 =	vld [tilespmem:s2+$0x800];
	_ =	sdelay $0x4  }
0xbd: {  	[tilespmem:$0x1280] =	vst v2  }
0xbe: {  	v2 =	vld [tilespmem:s2+$0x10];
	_ =	sdelay $0x4  }
0xbf: {  	[tilespmem:$0x1110] =	vst v2  }
0xc0: {  	v2 =	vld [tilespmem:s2+$0x810];
	_ =	sdelay $0x4  }
0xc1: {  	[tilespmem:$0x1290] =	vst v2  }
0xc2: {  	v2 =	vld [tilespmem:s2+$0x20];
	_ =	sdelay $0x4  }
0xc3: {  	[tilespmem:$0x1120] =	vst v2  }
0xc4: {  	v2 =	vld [tilespmem:s2+$0x820];
	_ =	sdelay $0x4  }
0xc5: {  	[tilespmem:$0x12A0] =	vst v2  }
0xc6: {  	v2 =	vld [tilespmem:s2+$0x30];
	_ =	sdelay $0x4  }
0xc7: {  	[tilespmem:$0x1130] =	vst v2  }
0xc8: {  	v2 =	vld [tilespmem:s2+$0x830];
	_ =	sdelay $0x4  }
0xc9: {  	[tilespmem:$0x12B0] =	vst v2  }
0xca: {  	v2 =	vld [tilespmem:s2+$0x40];
	_ =	sdelay $0x4  }
0xcb: {  	[tilespmem:$0x1140] =	vst v2  }
0xcc: {  	v2 =	vld [tilespmem:s2+$0x840];
	_ =	sdelay $0x4  }
0xcd: {  	s17 =	simm.s32 $0x6300;
	s22 =	simm.s32 $0x1280;
	[tilespmem:$0x12C0] =	vst v2  }
0xce: {  	[tilespmem:s17], [sflag:$0x3] =	stream.indirect.gather [hbm4b:s7+s25], $0x80, s22, s25, $0xb8;
	[tilespmem:$0x1D480] =	vst v63  }
0xcf: {  	s24 =	simm.s32 $0x2;
	s18 =	simm.s32 $0x8C00  }
0xd0: {  	[tilespmem:s18], [sflag:$0x6] =	stream.indirect.gather [hbm4b:s0+s25], $0x1, s22, s25, $0xb8;
	[tilespmem:$0x1D480] =	vst v63  }
0xd1: {  	_ =	swait.ge [sflag:s24], $0x2800  }
0xd2: {  	[sflag:s24] =	ssyncset.done $0x0  }
0xd3: {  	s26 =	simm.s32 $0x5;
	[sflag:s24] =	ssyncadd.s32 $0xFFFFD800  }
0xd4: {  	_ =	swait.ge [sflag:s26], $0x50  }
0xd5: {  	[sflag:s26] =	ssyncset.done $0x0  }
0xd6: {  	s30 =	simm.s32 $0x1080;
	[sflag:s26] =	ssyncadd.s32 $0xFFFFFFB0  }
0xd7: {  	[spmem:s4] =	stream.indirect.scatter.add.f32 [tilespmem:s6], [sflag:$0x8], $0x80, s30, s25, $0xb8;
	[tilespmem:$0x1D480] =	vst v63  }
0xd8: {  	s31 =	sand.u32 $0xFF, s14  }
0xd9: {  	[spmem:s5] =	stream.indirect.scatter.add.f32 [tilespmem:s10], [sflag:$0xB], $0x1, s30, s25, $0xb8;
	[tilespmem:$0x1D480] =	vst v63  }
0xda: {  	s2 =	smul.u32 $0x29, s31  }
0xdb: {  	[spmem:s15] =	stream.indirect.scatter.add.f32 [tilespmem:s11], [sflag:$0xE], $0x1, s30, s25, $0xb8;
	[tilespmem:$0x1D480] =	vst v63  }
0xdc: {  	_ =	swait.ge [sflag:s19], $0x2800  }
0xdd: {  	s2 =	sshrl.u32 s2, $0xA;
	[sflag:s19] =	ssyncset.done $0x0  }
0xde: {  	s2 =	smul.u32 $0x19, s2;
	[sflag:s19] =	ssyncadd.s32 $0xFFFFD800  }
0xdf: {  	_ =	swait.ge [sflag:s20], $0x50  }
0xe0: {  	s2 =	ssub.s32 $0x3, s2;
	[sflag:s20] =	ssyncset.done $0x0  }
0xe1: {  	s2 =	sand.u32 $0xFF, s2;
	[sflag:s20] =	ssyncadd.s32 $0xFFFFFFB0  }
0xe2: {  	p0 =	sne.s32 s2, $0x0;
	_ =	swait.ge [sflag:s13], $0x50  }
0xe3: {  	s9 =	simm.s32 @!p0 $0x0;
	s15 =	rddreg [dreg:$0x17]  }
0xe4: {  	[sflag:s13] =	ssyncset.done $0x0;
	s8 =	rddreg [dreg:$0xa];
	s3 =	sshrl.u32 @!p0 s15, $0x3  }
0xe5: {  	s22 =	simm.s32 @!p0 $0x10;
	[sflag:s13] =	ssyncadd.s32 $0xFFFFFFB0;
	s8 =	sadd.s32 @!p0 s8, s3  }
0xe6: {  	[tilespmem:s9], [sflag:$0x10] =	stream.linear.gather @!p0 [hbm4b:s8+s9], $0x7D0, $0x38;
	[tilespmem:$0x1D480] =	vst v63  }
0xe7: {  	_ =	swait.ge @!p0 [sflag:s22], $0x7D0  }
0xe8: {  	[sflag:s22] =	ssyncset.done @!p0 $0x0;
	s8 =	rddreg [dreg:$0xb]  }
0xe9: {  	s3 =	sadd.s32 @!p0 s8, s3;
	s8 =	simm.s32 @!p0 $0x800;
	[sflag:s22] =	ssyncadd.s32 @!p0 $0xFFFFF830  }
0xea: {  	[tilespmem:s8], [sflag:$0x10] =	stream.linear.gather @!p0 [hbm4b:s3+s9], $0x7D0, $0x38;
	[tilespmem:$0x1D480] =	vst v63  }
0xeb: {  	_ =	swait.ge @!p0 [sflag:s22], $0x7D0  }
0xec: {  	s2 =	smul.u32 $0x50, s2;
	[sflag:s22] =	ssyncset.done @!p0 $0x0  }
0xed: {  	[sflag:s22] =	ssyncadd.s32 @!p0 $0xFFFFF830  }
0xee: {  	v2 =	vld [tilespmem:s2+$0x0];
	_ =	sdelay $0x4  }
0xef: {  	[tilespmem:$0x1000] =	vst v2  }
0xf0: {  	v2 =	vld [tilespmem:s2+$0x800];
	_ =	sdelay $0x4  }
0xf1: {  	[tilespmem:$0x1180] =	vst v2  }
0xf2: {  	v2 =	vld [tilespmem:s2+$0x10];
	_ =	sdelay $0x4  }
0xf3: {  	[tilespmem:$0x1010] =	vst v2  }
0xf4: {  	v2 =	vld [tilespmem:s2+$0x810];
	_ =	sdelay $0x4  }
0xf5: {  	[tilespmem:$0x1190] =	vst v2  }
0xf6: {  	v2 =	vld [tilespmem:s2+$0x20];
	_ =	sdelay $0x4  }
0xf7: {  	[tilespmem:$0x1020] =	vst v2  }
0xf8: {  	v2 =	vld [tilespmem:s2+$0x820];
	_ =	sdelay $0x4  }
0xf9: {  	[tilespmem:$0x11A0] =	vst v2  }
0xfa: {  	v2 =	vld [tilespmem:s2+$0x30];
	_ =	sdelay $0x4  }
0xfb: {  	[tilespmem:$0x1030] =	vst v2  }
0xfc: {  	v2 =	vld [tilespmem:s2+$0x830];
	_ =	sdelay $0x4  }
0xfd: {  	[tilespmem:$0x11B0] =	vst v2  }
0xfe: {  	v2 =	vld [tilespmem:s2+$0x40];
	_ =	sdelay $0x4  }
0xff: {  	[tilespmem:$0x1040] =	vst v2  }
0x100: {  	p1 =	por $0x0, $0x0;
	v2 =	vld [tilespmem:s2+$0x840]  }
0x101: {  	s2 =	simm.s32 @!p1 $0x5  }
0x102: {  	s2 =	sand.u32 @!p1 $0xFF, s2  }
0x103: {  	s2 =	smul.u32 @!p1 $0x29, s2;
	_ =	sdelay $0x1  }
0x104: {  	s2 =	sshrl.u32 @!p1 s2, $0xA;
	[tilespmem:$0x11C0] =	vst v2  }
0x105: {  	[tilespmem:s1], [sflag:$0x1] =	stream.indirect.gather [hbm4b:s7+s25], $0x80, s16, s25, $0xb8;
	[tilespmem:$0x1D480] =	vst v63  }
0x106: {  	s2 =	smul.u32 @!p1 $0x19, s2  }
0x107: {  	[tilespmem:s23], [sflag:$0x4] =	stream.indirect.gather [hbm4b:s0+s25], $0x1, s16, s25, $0xb8;
	[tilespmem:$0x1D480] =	vst v63  }
0x108: {  	_ =	swait.ge [sflag:s14], $0x2800  }
0x109: {  	s28 =	simm.s32 $0x3C;
	s2 =	ssub.s32 @!p1 $0x5, s2;
	[sflag:s14] =	ssyncset.done $0x0  }
0x10a: {  	s29 =	simm.s32 $0x9;
	s9 =	sand.u32 @!p1 $0xFF, s2;
	[sflag:s14] =	ssyncadd.s32 $0xFFFFD800  }
0x10b: {  	s26 =	simm.s32 $0x1E;
	p0 =	sne.s32 @!p1 s9, $0x0;
	_ =	swait.ge [sflag:s21], $0x50  }
0x10c: {  	s8 =	sadd.s32 $0xF0, s15;
	p2 =	por !p0, p1;
	[sflag:s21] =	ssyncset.done $0x0  }
0x10d: {  	s22 =	simm.s32 $0x6;
	s9 =	simm.s32 @p2 $0x0;
	[sflag:s21] =	ssyncadd.s32 $0xFFFFFFB0  }
0x10e: {  	[spmem:s4] =	stream.indirect.scatter.add.f32 [tilespmem:s17], [sflag:$0x9], $0x80, s12, s25, $0xb8;
	[tilespmem:$0x1D480] =	vst v63  }
0x10f: {  	p0 =	por p0, p0;
	s9 =	simm.s32 @p1 $0x2;
	p1 =	por p1, p1  }
0x110: {  	[spmem:s5] =	stream.indirect.scatter.add.f32 [tilespmem:s18], [sflag:$0xC], $0x1, s12, s25, $0xb8;
	[tilespmem:$0x1D480] =	vst v63  }
.LBB2_2:
0x111: {  	p3 =	seq.s32 s28, $0x0  }
0x112: {  	s3 =	sadd.s32 @!p1 $0xFFFFFFFE, s22;
	s30 =	rddreg [dreg:$0x4];
	s11 =	simm.s32 $0x8C80  }
0x113: {  	[spmem:s30] =	stream.indirect.scatter.add.f32 [tilespmem:s11], [sflag:$0xF], $0x1, s12, s25, $0xb8;
	[tilespmem:$0x1D480] =	vst v63  }
0x114: {  	s2 =	simm.s32 @!p1 $0x8;
	s15 =	sadd.s32 @!p3 $0xFFFFFFFF, s29;
	s16 =	sand.u32 @!p1 $0xFF, s3  }
0x115: {  	_ =	swait.ge @!p1 [sflag:s2], $0x2800;
	s23 =	sand.u32 @!p3 $0xFF, s15;
	s16 =	smul.u32 @!p1 $0x29, s16  }
0x116: {  	[sflag:s2] =	ssyncset.done @!p1 $0x0;
	s23 =	smul.u32 @!p3 $0x29, s23  }
0x117: {  	[sflag:s2] =	ssyncadd.s32 @!p1 $0xFFFFD800;
	s2 =	simm.s32 @!p1 $0xB;
	s16 =	sshrl.u32 @!p1 s16, $0xA  }
0x118: {  	_ =	swait.ge @!p1 [sflag:s2], $0x50;
	s23 =	sshrl.u32 @!p3 s23, $0xA;
	s16 =	smul.u32 @!p1 $0x19, s16  }
0x119: {  	[sflag:s2] =	ssyncset.done @!p1 $0x0;
	s23 =	smul.u32 @!p3 $0x19, s23  }
0x11a: {  	s0 =	simm.s32 @!p1 $0xE;
	[sflag:s2] =	ssyncadd.s32 @!p1 $0xFFFFFFB0;
	s2 =	ssub.s32 @!p1 s3, s16  }
0x11b: {  	_ =	swait.ge @!p1 [sflag:s0], $0x50;
	s3 =	ssub.s32 @!p3 s15, s23;
	s15 =	sand.u32 @!p1 $0xFF, s2  }
0x11c: {  	s16 =	rddreg [dreg:$0x9];
	p4 =	sne.s32 @!p1 s15, $0x0;
	[sflag:s0] =	ssyncset.done @!p1 $0x0  }
0x11d: {  	s2 =	sand.u32 @!p3 $0xFF, s3;
	p5 =	por p4, p1;
	[sflag:s0] =	ssyncadd.s32 @!p1 $0xFFFFFFB0  }
0x11e: {  	s3 =	sadd.s32 @!p5 s26, s16;
	s16 =	simm.s32 @!p5 $0x0;
	s23 =	simm.s32 @!p5 $0x10  }
0x11f: {  	[tilespmem:s16], [sflag:$0x10] =	stream.linear.gather @!p5 [hbm4b:s3+s16], $0x7D0, $0x38;
	[tilespmem:$0x1D480] =	vst v63  }
0x120: {  	p6 =	por !p4, p1;
	_ =	swait.ge @!p5 [sflag:s23], $0x7D0  }
0x121: {  	s15 =	simm.s32 @p6 $0x0;
	[sflag:s23] =	ssyncset.done @!p5 $0x0;
	s0 =	rddreg [dreg:$0x8]  }
0x122: {  	s3 =	simm.s32 @!p5 $0x800;
	[sflag:s23] =	ssyncadd.s32 @!p5 $0xFFFFF830;
	s0 =	sadd.s32 @!p5 s26, s0  }
0x123: {  	[tilespmem:s3], [sflag:$0x10] =	stream.linear.gather @!p5 [hbm4b:s0+s16], $0x7D0, $0x38;
	[tilespmem:$0x1D480] =	vst v63  }
0x124: {  	s15 =	simm.s32 @p1 $0x1;
	_ =	swait.ge @!p5 [sflag:s23], $0x7D0  }
0x125: {  	s4 =	smul.u32 $0x50, s15;
	[sflag:s23] =	ssyncset.done @!p5 $0x0  }
0x126: {  	[sflag:s23] =	ssyncadd.s32 @!p5 $0xFFFFF830  }
0x127: {  	v2 =	vld [tilespmem:s4+$0x0];
	_ =	sdelay $0x4  }
0x128: {  	[tilespmem:$0x1080] =	vst v2  }
0x129: {  	v2 =	vld [tilespmem:s4+$0x800];
	_ =	sdelay $0x4  }
0x12a: {  	[tilespmem:$0x1200] =	vst v2  }
0x12b: {  	v2 =	vld [tilespmem:s4+$0x10];
	_ =	sdelay $0x4  }
0x12c: {  	[tilespmem:$0x1090] =	vst v2  }
0x12d: {  	v2 =	vld [tilespmem:s4+$0x810];
	_ =	sdelay $0x4  }
0x12e: {  	[tilespmem:$0x1210] =	vst v2  }
0x12f: {  	v2 =	vld [tilespmem:s4+$0x20];
	_ =	sdelay $0x4  }
0x130: {  	[tilespmem:$0x10A0] =	vst v2  }
0x131: {  	v2 =	vld [tilespmem:s4+$0x820];
	_ =	sdelay $0x4  }
0x132: {  	[tilespmem:$0x1220] =	vst v2  }
0x133: {  	v2 =	vld [tilespmem:s4+$0x30];
	_ =	sdelay $0x4  }
0x134: {  	[tilespmem:$0x10B0] =	vst v2  }
0x135: {  	v2 =	vld [tilespmem:s4+$0x830];
	_ =	sdelay $0x4  }
0x136: {  	[tilespmem:$0x1230] =	vst v2  }
0x137: {  	v2 =	vld [tilespmem:s4+$0x40];
	_ =	sdelay $0x4  }
0x138: {  	[tilespmem:$0x10C0] =	vst v2  }
0x139: {  	v2 =	vld [tilespmem:s4+$0x840];
	_ =	sdelay $0x4  }
0x13a: {  	s5 =	simm.s32 $0x1200;
	s6 =	simm.s32 $0x3B00;
	[tilespmem:$0x1240] =	vst v2  }
0x13b: {  	[tilespmem:s6], [sflag:$0x2] =	stream.indirect.gather [hbm4b:s7+s25], $0x80, s5, s25, $0xb8;
	[tilespmem:$0x1D480] =	vst v63  }
0x13c: {  	s10 =	simm.s32 $0x8B80;
	s15 =	simm.s32 $0x1;
	s23 =	rddreg [dreg:$0x1]  }
0x13d: {  	[tilespmem:s10], [sflag:$0x5] =	stream.indirect.gather [hbm4b:s23+s25], $0x1, s5, s25, $0xb8;
	[tilespmem:$0x1D480] =	vst v63  }
0x13e: {  	_ =	swait.ge [sflag:s15], $0x2800  }
0x13f: {  	[sflag:s15] =	ssyncset.done $0x0  }
0x140: {  	s16 =	simm.s32 $0x4;
	[sflag:s15] =	ssyncadd.s32 $0xFFFFD800  }
0x141: {  	_ =	swait.ge [sflag:s16], $0x50  }
0x142: {  	[sflag:s16] =	ssyncset.done $0x0  }
0x143: {  	[sflag:s16] =	ssyncadd.s32 $0xFFFFFFB0  }
0x144: {  	s1 =	simm.s32 $0x1300;
	s17 =	simm.s32 $0x1000;
	s4 =	rddreg [dreg:$0x2]  }
0x145: {  	[spmem:s4] =	stream.indirect.scatter.add.f32 [tilespmem:s1], [sflag:$0x7], $0x80, s17, s25, $0xb8;
	[tilespmem:$0x1D480] =	vst v63  }
0x146: {  	s24 =	simm.s32 $0x8B00;
	s5 =	rddreg [dreg:$0x3]  }
0x147: {  	[spmem:s5] =	stream.indirect.scatter.add.f32 [tilespmem:s24], [sflag:$0xA], $0x1, s17, s25, $0xb8;
	[tilespmem:$0x1D480] =	vst v63  }
0x148: {  	s0 =	simm.s32 @!p1 $0x9  }
0x149: {  	[spmem:s30] =	stream.indirect.scatter.add.f32 [tilespmem:s11], [sflag:$0xD], $0x1, s17, s25, $0xb8;
	[tilespmem:$0x1D480] =	vst v63  }
0x14a: {  	_ =	swait.ge @!p1 [sflag:s0], $0x2800  }
0x14b: {  	[sflag:s0] =	ssyncset.done @!p1 $0x0  }
0x14c: {  	s3 =	simm.s32 @!p1 $0xC;
	[sflag:s0] =	ssyncadd.s32 @!p1 $0xFFFFD800  }
0x14d: {  	_ =	swait.ge @!p1 [sflag:s3], $0x50  }
0x14e: {  	[sflag:s3] =	ssyncset.done @!p1 $0x0  }
0x14f: {  	s0 =	simm.s32 @!p1 $0xF;
	[sflag:s3] =	ssyncadd.s32 @!p1 $0xFFFFFFB0  }
0x150: {  	p5 =	por p0, p1;
	_ =	swait.ge @!p1 [sflag:s0], $0x50  }
0x151: {  	s15 =	simm.s32 @!p5 $0x10;
	s3 =	rddreg [dreg:$0x7];
	[sflag:s0] =	ssyncset.done @!p1 $0x0  }
0x152: {  	[sflag:s0] =	ssyncadd.s32 @!p1 $0xFFFFFFB0;
	s0 =	simm.s32 @!p5 $0x0;
	s3 =	sadd.s32 @!p5 s26, s3  }
0x153: {  	[tilespmem:s0], [sflag:$0x10] =	stream.linear.gather @!p5 [hbm4b:s3+s0], $0x7D0, $0x38;
	[tilespmem:$0x1D480] =	vst v63  }
0x154: {  	_ =	swait.ge @!p5 [sflag:s15], $0x7D0  }
0x155: {  	s3 =	rddreg [dreg:$0x6];
	[sflag:s15] =	ssyncset.done @!p5 $0x0  }
0x156: {  	s16 =	simm.s32 @!p5 $0x800;
	[sflag:s15] =	ssyncadd.s32 @!p5 $0xFFFFF830;
	s3 =	sadd.s32 @!p5 s26, s3  }
0x157: {  	[tilespmem:s16], [sflag:$0x10] =	stream.linear.gather @!p5 [hbm4b:s3+s0], $0x7D0, $0x38;
	[tilespmem:$0x1D480] =	vst v63  }
0x158: {  	_ =	swait.ge @!p5 [sflag:s15], $0x7D0  }
0x159: {  	s18 =	smul.u32 $0x50, s9;
	[sflag:s15] =	ssyncset.done @!p5 $0x0  }
0x15a: {  	[sflag:s15] =	ssyncadd.s32 @!p5 $0xFFFFF830  }
0x15b: {  	v2 =	vld [tilespmem:s18+$0x0];
	_ =	sdelay $0x4  }
0x15c: {  	[tilespmem:$0x1100] =	vst v2  }
0x15d: {  	v2 =	vld [tilespmem:s18+$0x800];
	_ =	sdelay $0x4  }
0x15e: {  	[tilespmem:$0x1280] =	vst v2  }
0x15f: {  	v2 =	vld [tilespmem:s18+$0x10];
	_ =	sdelay $0x4  }
0x160: {  	[tilespmem:$0x1110] =	vst v2  }
0x161: {  	v2 =	vld [tilespmem:s18+$0x810];
	_ =	sdelay $0x4  }
0x162: {  	[tilespmem:$0x1290] =	vst v2  }
0x163: {  	v2 =	vld [tilespmem:s18+$0x20];
	_ =	sdelay $0x4  }
0x164: {  	[tilespmem:$0x1120] =	vst v2  }
0x165: {  	v2 =	vld [tilespmem:s18+$0x820];
	_ =	sdelay $0x4  }
0x166: {  	[tilespmem:$0x12A0] =	vst v2  }
0x167: {  	v2 =	vld [tilespmem:s18+$0x30];
	_ =	sdelay $0x4  }
0x168: {  	[tilespmem:$0x1130] =	vst v2  }
0x169: {  	v2 =	vld [tilespmem:s18+$0x830];
	_ =	sdelay $0x4  }
0x16a: {  	[tilespmem:$0x12B0] =	vst v2  }
0x16b: {  	v2 =	vld [tilespmem:s18+$0x40];
	_ =	sdelay $0x4  }
0x16c: {  	[tilespmem:$0x1140] =	vst v2  }
0x16d: {  	v2 =	vld [tilespmem:s18+$0x840]  }
0x16e: {  	p4 =	sne.s32 @!p3 s2, $0x0  }
0x16f: {  	p6 =	por !p4, p3  }
0x170: {  	s2 =	simm.s32 @p6 $0x0  }
0x171: {  	s31 =	smov.u32 s28;
	s2 =	simm.s32 @p3 $0x2  }
0x172: {  	s17 =	simm.s32 $0x6300;
	s26 =	smov.u32 s31;
	s31 =	simm.s32 $0x1280;
	[tilespmem:$0x12C0] =	vst v2  }
0x173: {  	[tilespmem:s17], [sflag:$0x3] =	stream.indirect.gather [hbm4b:s7+s25], $0x80, s31, s25, $0xb8;
	[tilespmem:$0x1D480] =	vst v63  }
0x174: {  	s9 =	smov.u32 s2;
	s2 =	simm.s32 $0x2;
	s18 =	simm.s32 $0x8C00  }
0x175: {  	[tilespmem:s18], [sflag:$0x6] =	stream.indirect.gather [hbm4b:s23+s25], $0x1, s31, s25, $0xb8;
	[tilespmem:$0x1D480] =	vst v63  }
0x176: {  	_ =	swait.ge [sflag:s2], $0x2800  }
0x177: {  	[sflag:s2] =	ssyncset.done $0x0  }
0x178: {  	s3 =	simm.s32 $0x5;
	[sflag:s2] =	ssyncadd.s32 $0xFFFFD800  }
0x179: {  	_ =	swait.ge [sflag:s3], $0x50  }
0x17a: {  	[sflag:s3] =	ssyncset.done $0x0  }
0x17b: {  	s15 =	simm.s32 $0x1080;
	[sflag:s3] =	ssyncadd.s32 $0xFFFFFFB0  }
0x17c: {  	[spmem:s4] =	stream.indirect.scatter.add.f32 [tilespmem:s6], [sflag:$0x8], $0x80, s15, s25, $0xb8;
	[tilespmem:$0x1D480] =	vst v63  }
0x17d: {  	s16 =	sand.u32 $0xFF, s22  }
0x17e: {  	[spmem:s5] =	stream.indirect.scatter.add.f32 [tilespmem:s10], [sflag:$0xB], $0x1, s15, s25, $0xb8;
	[tilespmem:$0x1D480] =	vst v63  }
0x17f: {  	s0 =	smul.u32 $0x29, s16  }
0x180: {  	[spmem:s30] =	stream.indirect.scatter.add.f32 [tilespmem:s11], [sflag:$0xE], $0x1, s15, s25, $0xb8;
	[tilespmem:$0x1D480] =	vst v63  }
0x181: {  	s0 =	sshrl.u32 s0, $0xA;
	_ =	swait.ge [sflag:s19], $0x2800  }
0x182: {  	s0 =	smul.u32 $0x19, s0;
	[sflag:s19] =	ssyncset.done $0x0  }
0x183: {  	[sflag:s19] =	ssyncadd.s32 $0xFFFFD800  }
0x184: {  	s0 =	ssub.s32 s22, s0;
	_ =	swait.ge [sflag:s20], $0x50  }
0x185: {  	s0 =	sand.u32 $0xFF, s0;
	[sflag:s20] =	ssyncset.done $0x0  }
0x186: {  	p1 =	por p3, p3;
	p3 =	sne.s32 s0, $0x0;
	[sflag:s20] =	ssyncadd.s32 $0xFFFFFFB0  }
0x187: {  	s16 =	simm.s32 @!p3 $0x10;
	_ =	swait.ge [sflag:s13], $0x50  }
0x188: {  	s2 =	sshrl.u32 @!p3 s8, $0x3;
	[sflag:s13] =	ssyncset.done $0x0;
	s3 =	rddreg [dreg:$0xa]  }
0x189: {  	s15 =	simm.s32 @!p3 $0x0;
	s3 =	sadd.s32 @!p3 s3, s2;
	[sflag:s13] =	ssyncadd.s32 $0xFFFFFFB0  }
0x18a: {  	[tilespmem:s15], [sflag:$0x10] =	stream.linear.gather @!p3 [hbm4b:s3+s15], $0x7D0, $0x38;
	[tilespmem:$0x1D480] =	vst v63  }
0x18b: {  	s31 =	rddreg [dreg:$0xb];
	_ =	swait.ge @!p3 [sflag:s16], $0x7D0  }
0x18c: {  	[sflag:s16] =	ssyncset.done @!p3 $0x0  }
0x18d: {  	s2 =	sadd.s32 @!p3 s31, s2;
	s3 =	simm.s32 @!p3 $0x800;
	[sflag:s16] =	ssyncadd.s32 @!p3 $0xFFFFF830  }
0x18e: {  	[tilespmem:s3], [sflag:$0x10] =	stream.linear.gather @!p3 [hbm4b:s2+s15], $0x7D0, $0x38;
	[tilespmem:$0x1D480] =	vst v63  }
0x18f: {  	_ =	swait.ge @!p3 [sflag:s16], $0x7D0  }
0x190: {  	s30 =	smul.u32 $0x50, s0;
	[sflag:s16] =	ssyncset.done @!p3 $0x0  }
0x191: {  	[sflag:s16] =	ssyncadd.s32 @!p3 $0xFFFFF830  }
0x192: {  	v2 =	vld [tilespmem:s30+$0x0];
	_ =	sdelay $0x4  }
0x193: {  	[tilespmem:$0x1000] =	vst v2  }
0x194: {  	v2 =	vld [tilespmem:s30+$0x800];
	_ =	sdelay $0x4  }
0x195: {  	[tilespmem:$0x1180] =	vst v2  }
0x196: {  	v2 =	vld [tilespmem:s30+$0x10];
	_ =	sdelay $0x4  }
0x197: {  	[tilespmem:$0x1010] =	vst v2  }
0x198: {  	v2 =	vld [tilespmem:s30+$0x810];
	_ =	sdelay $0x4  }
0x199: {  	[tilespmem:$0x1190] =	vst v2  }
0x19a: {  	v2 =	vld [tilespmem:s30+$0x20];
	_ =	sdelay $0x4  }
0x19b: {  	[tilespmem:$0x1020] =	vst v2  }
0x19c: {  	v2 =	vld [tilespmem:s30+$0x820];
	_ =	sdelay $0x4  }
0x19d: {  	[tilespmem:$0x11A0] =	vst v2  }
0x19e: {  	v2 =	vld [tilespmem:s30+$0x30];
	_ =	sdelay $0x4  }
0x19f: {  	[tilespmem:$0x1030] =	vst v2  }
0x1a0: {  	v2 =	vld [tilespmem:s30+$0x830];
	_ =	sdelay $0x4  }
0x1a1: {  	[tilespmem:$0x11B0] =	vst v2  }
0x1a2: {  	v2 =	vld [tilespmem:s30+$0x40];
	_ =	sdelay $0x4  }
0x1a3: {  	[tilespmem:$0x1040] =	vst v2  }
0x1a4: {  	v2 =	vld [tilespmem:s30+$0x840];
	_ =	sdelay $0x4  }
0x1a5: {  	s31 =	simm.s32 $0x1180;
	[tilespmem:$0x11C0] =	vst v2  }
0x1a6: {  	[tilespmem:s1], [sflag:$0x1] =	stream.indirect.gather [hbm4b:s7+s25], $0x80, s31, s25, $0xb8;
	[tilespmem:$0x1D480] =	vst v63  }
0x1a7: {  	_ = 	snop  }
0x1a8: {  	[tilespmem:s24], [sflag:$0x4] =	stream.indirect.gather [hbm4b:s23+s25], $0x1, s31, s25, $0xb8;
	[tilespmem:$0x1D480] =	vst v63  }
0x1a9: {  	_ =	swait.ge [sflag:s14], $0x2800  }
0x1aa: {  	[sflag:s14] =	ssyncset.done $0x0  }
0x1ab: {  	s28 =	sadd.s32 $0x1E, s28;
	[sflag:s14] =	ssyncadd.s32 $0xFFFFD800  }
0x1ac: {  	p2 =	sne.s32 s28, $0x4CE;
	_ =	swait.ge [sflag:s21], $0x50  }
.Ltmp0:
0x1ad: {  	[sflag:s21] =	ssyncset.done $0x0;
	(pc) =	sbr.rel @p2 .LBB2_2-.Ltmp0, $4  }
0x1ae: {  	p0 =	por p4, p4;
	[sflag:s21] =	ssyncadd.s32 $0xFFFFFFB0  }
0x1af: {  	[spmem:s4] =	stream.indirect.scatter.add.f32 [tilespmem:s17], [sflag:$0x9], $0x80, s12, s25, $0xb8;
	[tilespmem:$0x1D480] =	vst v63  }
0x1b0: {  	s22 =	smov.u32 s29;
	s29 =	sadd.s32 $0x3, s29;
	s8 =	sadd.s32 $0xF0, s8  }
0x1b1: {  	[spmem:s5] =	stream.indirect.scatter.add.f32 [tilespmem:s18], [sflag:$0xC], $0x1, s12, s25, $0xb8;
	[tilespmem:$0x1D480] =	vst v63  }
0x1b2: {  	s2 =	sadd.s32 @!p1 $0xFFFFFFFE, s22;
	s23 =	rddreg [dreg:$0x4];
	s11 =	simm.s32 $0x8C80  }
0x1b3: {  	[spmem:s23] =	stream.indirect.scatter.add.f32 [tilespmem:s11], [sflag:$0xF], $0x1, s12, s25, $0xb8;
	[tilespmem:$0x1D480] =	vst v63  }
0x1b4: {  	s0 =	simm.s32 @!p1 $0x8;
	s3 =	sand.u32 @!p1 $0xFF, s2  }
0x1b5: {  	_ =	swait.ge @!p1 [sflag:s0], $0x2800;
	s3 =	smul.u32 @!p1 $0x29, s3  }
0x1b6: {  	[sflag:s0] =	ssyncset.done @!p1 $0x0  }
0x1b7: {  	[sflag:s0] =	ssyncadd.s32 @!p1 $0xFFFFD800;
	s0 =	simm.s32 @!p1 $0xB;
	s3 =	sshrl.u32 @!p1 s3, $0xA  }
0x1b8: {  	_ =	swait.ge @!p1 [sflag:s0], $0x50;
	s3 =	smul.u32 @!p1 $0x19, s3  }
0x1b9: {  	[sflag:s0] =	ssyncset.done @!p1 $0x0  }
0x1ba: {  	[sflag:s0] =	ssyncadd.s32 @!p1 $0xFFFFFFB0;
	s0 =	simm.s32 @!p1 $0xE;
	s2 =	ssub.s32 @!p1 s2, s3  }
0x1bb: {  	_ =	swait.ge @!p1 [sflag:s0], $0x50;
	s2 =	sand.u32 @!p1 $0xFF, s2  }
0x1bc: {  	p3 =	sne.s32 @!p1 s2, $0x0;
	[sflag:s0] =	ssyncset.done @!p1 $0x0  }
0x1bd: {  	s3 =	rddreg [dreg:$0x9];
	p2 =	por p3, p1;
	[sflag:s0] =	ssyncadd.s32 @!p1 $0xFFFFFFB0  }
0x1be: {  	s3 =	sadd.s32 @!p2 s26, s3;
	s15 =	simm.s32 @!p2 $0x0;
	s16 =	simm.s32 @!p2 $0x10  }
0x1bf: {  	[tilespmem:s15], [sflag:$0x10] =	stream.linear.gather @!p2 [hbm4b:s3+s15], $0x7D0, $0x38;
	[tilespmem:$0x1D480] =	vst v63  }
0x1c0: {  	p3 =	por !p3, p1;
	_ =	swait.ge @!p2 [sflag:s16], $0x7D0  }
0x1c1: {  	s2 =	simm.s32 @p3 $0x0;
	s0 =	rddreg [dreg:$0x8];
	[sflag:s16] =	ssyncset.done @!p2 $0x0  }
0x1c2: {  	s3 =	simm.s32 @!p2 $0x800;
	[sflag:s16] =	ssyncadd.s32 @!p2 $0xFFFFF830;
	s0 =	sadd.s32 @!p2 s26, s0  }
0x1c3: {  	[tilespmem:s3], [sflag:$0x10] =	stream.linear.gather @!p2 [hbm4b:s0+s15], $0x7D0, $0x38;
	[tilespmem:$0x1D480] =	vst v63  }
0x1c4: {  	s2 =	simm.s32 @p1 $0x1;
	_ =	swait.ge @!p2 [sflag:s16], $0x7D0  }
0x1c5: {  	s18 =	smul.u32 $0x50, s2;
	[sflag:s16] =	ssyncset.done @!p2 $0x0  }
0x1c6: {  	[sflag:s16] =	ssyncadd.s32 @!p2 $0xFFFFF830  }
0x1c7: {  	v2 =	vld [tilespmem:s18+$0x0];
	_ =	sdelay $0x4  }
0x1c8: {  	[tilespmem:$0x1080] =	vst v2  }
0x1c9: {  	v2 =	vld [tilespmem:s18+$0x800];
	_ =	sdelay $0x4  }
0x1ca: {  	[tilespmem:$0x1200] =	vst v2  }
0x1cb: {  	v2 =	vld [tilespmem:s18+$0x10];
	_ =	sdelay $0x4  }
0x1cc: {  	[tilespmem:$0x1090] =	vst v2  }
0x1cd: {  	v2 =	vld [tilespmem:s18+$0x810];
	_ =	sdelay $0x4  }
0x1ce: {  	[tilespmem:$0x1210] =	vst v2  }
0x1cf: {  	v2 =	vld [tilespmem:s18+$0x20];
	_ =	sdelay $0x4  }
0x1d0: {  	[tilespmem:$0x10A0] =	vst v2  }
0x1d1: {  	v2 =	vld [tilespmem:s18+$0x820];
	_ =	sdelay $0x4  }
0x1d2: {  	[tilespmem:$0x1220] =	vst v2  }
0x1d3: {  	v2 =	vld [tilespmem:s18+$0x30];
	_ =	sdelay $0x4  }
0x1d4: {  	[tilespmem:$0x10B0] =	vst v2  }
0x1d5: {  	v2 =	vld [tilespmem:s18+$0x830];
	_ =	sdelay $0x4  }
0x1d6: {  	[tilespmem:$0x1230] =	vst v2  }
0x1d7: {  	v2 =	vld [tilespmem:s18+$0x40];
	_ =	sdelay $0x4  }
0x1d8: {  	[tilespmem:$0x10C0] =	vst v2  }
0x1d9: {  	v2 =	vld [tilespmem:s18+$0x840];
	_ =	sdelay $0x4  }
0x1da: {  	s29 =	simm.s32 $0x1200;
	s30 =	simm.s32 $0x3B00;
	[tilespmem:$0x1240] =	vst v2  }
0x1db: {  	[tilespmem:s30], [sflag:$0x2] =	stream.indirect.gather [hbm4b:s7+s25], $0x80, s29, s25, $0xb8;
	[tilespmem:$0x1D480] =	vst v63  }
0x1dc: {  	s6 =	simm.s32 $0x8B80;
	s28 =	simm.s32 $0x1;
	s16 =	rddreg [dreg:$0x1]  }
0x1dd: {  	[tilespmem:s6], [sflag:$0x5] =	stream.indirect.gather [hbm4b:s16+s25], $0x1, s29, s25, $0xb8;
	[tilespmem:$0x1D480] =	vst v63  }
0x1de: {  	_ =	swait.ge [sflag:s28], $0x2800  }
0x1df: {  	[sflag:s28] =	ssyncset.done $0x0  }
0x1e0: {  	s10 =	simm.s32 $0x4;
	[sflag:s28] =	ssyncadd.s32 $0xFFFFD800  }
0x1e1: {  	_ =	swait.ge [sflag:s10], $0x50  }
0x1e2: {  	[sflag:s10] =	ssyncset.done $0x0  }
0x1e3: {  	[sflag:s10] =	ssyncadd.s32 $0xFFFFFFB0  }
0x1e4: {  	s24 =	simm.s32 $0x1300;
	s31 =	simm.s32 $0x1000;
	s4 =	rddreg [dreg:$0x2]  }
0x1e5: {  	[spmem:s4] =	stream.indirect.scatter.add.f32 [tilespmem:s24], [sflag:$0x7], $0x80, s31, s25, $0xb8;
	[tilespmem:$0x1D480] =	vst v63  }
0x1e6: {  	s5 =	rddreg [dreg:$0x3];
	s24 =	simm.s32 $0x8B00  }
0x1e7: {  	[spmem:s5] =	stream.indirect.scatter.add.f32 [tilespmem:s24], [sflag:$0xA], $0x1, s31, s25, $0xb8;
	[tilespmem:$0x1D480] =	vst v63  }
0x1e8: {  	s0 =	simm.s32 @!p1 $0x9  }
0x1e9: {  	[spmem:s23] =	stream.indirect.scatter.add.f32 [tilespmem:s11], [sflag:$0xD], $0x1, s31, s25, $0xb8;
	[tilespmem:$0x1D480] =	vst v63  }
0x1ea: {  	_ =	swait.ge @!p1 [sflag:s0], $0x2800  }
0x1eb: {  	[sflag:s0] =	ssyncset.done @!p1 $0x0  }
0x1ec: {  	s2 =	simm.s32 @!p1 $0xC;
	[sflag:s0] =	ssyncadd.s32 @!p1 $0xFFFFD800  }
0x1ed: {  	_ =	swait.ge @!p1 [sflag:s2], $0x50  }
0x1ee: {  	[sflag:s2] =	ssyncset.done @!p1 $0x0  }
0x1ef: {  	s0 =	simm.s32 @!p1 $0xF;
	[sflag:s2] =	ssyncadd.s32 @!p1 $0xFFFFFFB0  }
0x1f0: {  	p0 =	por p0, p1;
	_ =	swait.ge @!p1 [sflag:s0], $0x50  }
0x1f1: {  	s3 =	simm.s32 @!p0 $0x10;
	s2 =	rddreg [dreg:$0x7];
	[sflag:s0] =	ssyncset.done @!p1 $0x0  }
0x1f2: {  	[sflag:s0] =	ssyncadd.s32 @!p1 $0xFFFFFFB0;
	s0 =	simm.s32 @!p0 $0x0;
	s2 =	sadd.s32 @!p0 s26, s2  }
0x1f3: {  	[tilespmem:s0], [sflag:$0x10] =	stream.linear.gather @!p0 [hbm4b:s2+s0], $0x7D0, $0x38;
	[tilespmem:$0x1D480] =	vst v63  }
0x1f4: {  	_ =	swait.ge @!p0 [sflag:s3], $0x7D0  }
0x1f5: {  	s2 =	rddreg [dreg:$0x6];
	[sflag:s3] =	ssyncset.done @!p0 $0x0  }
0x1f6: {  	s15 =	simm.s32 @!p0 $0x800;
	[sflag:s3] =	ssyncadd.s32 @!p0 $0xFFFFF830;
	s2 =	sadd.s32 @!p0 s26, s2  }
0x1f7: {  	[tilespmem:s15], [sflag:$0x10] =	stream.linear.gather @!p0 [hbm4b:s2+s0], $0x7D0, $0x38;
	[tilespmem:$0x1D480] =	vst v63  }
0x1f8: {  	_ =	swait.ge @!p0 [sflag:s3], $0x7D0  }
0x1f9: {  	s1 =	smul.u32 $0x50, s9;
	[sflag:s3] =	ssyncset.done @!p0 $0x0  }
0x1fa: {  	[sflag:s3] =	ssyncadd.s32 @!p0 $0xFFFFF830  }
0x1fb: {  	v2 =	vld [tilespmem:s1+$0x0];
	_ =	sdelay $0x4  }
0x1fc: {  	[tilespmem:$0x1100] =	vst v2  }
0x1fd: {  	v2 =	vld [tilespmem:s1+$0x800];
	_ =	sdelay $0x4  }
0x1fe: {  	[tilespmem:$0x1280] =	vst v2  }
0x1ff: {  	v2 =	vld [tilespmem:s1+$0x10];
	_ =	sdelay $0x4  }
0x200: {  	[tilespmem:$0x1110] =	vst v2  }
0x201: {  	v2 =	vld [tilespmem:s1+$0x810];
	_ =	sdelay $0x4  }
0x202: {  	[tilespmem:$0x1290] =	vst v2  }
0x203: {  	v2 =	vld [tilespmem:s1+$0x20];
	_ =	sdelay $0x4  }
0x204: {  	[tilespmem:$0x1120] =	vst v2  }
0x205: {  	v2 =	vld [tilespmem:s1+$0x820];
	_ =	sdelay $0x4  }
0x206: {  	[tilespmem:$0x12A0] =	vst v2  }
0x207: {  	v2 =	vld [tilespmem:s1+$0x30];
	_ =	sdelay $0x4  }
0x208: {  	[tilespmem:$0x1130] =	vst v2  }
0x209: {  	v2 =	vld [tilespmem:s1+$0x830];
	_ =	sdelay $0x4  }
0x20a: {  	[tilespmem:$0x12B0] =	vst v2  }
0x20b: {  	v2 =	vld [tilespmem:s1+$0x40];
	_ =	sdelay $0x4  }
0x20c: {  	[tilespmem:$0x1140] =	vst v2  }
0x20d: {  	v2 =	vld [tilespmem:s1+$0x840];
	_ =	sdelay $0x4  }
0x20e: {  	s17 =	simm.s32 $0x6300;
	s2 =	simm.s32 $0x1280;
	[tilespmem:$0x12C0] =	vst v2  }
0x20f: {  	[tilespmem:s17], [sflag:$0x3] =	stream.indirect.gather [hbm4b:s7+s25], $0x80, s2, s25, $0xb8;
	[tilespmem:$0x1D480] =	vst v63  }
0x210: {  	s18 =	simm.s32 $0x8C00;
	s15 =	simm.s32 $0x2  }
0x211: {  	[tilespmem:s18], [sflag:$0x6] =	stream.indirect.gather [hbm4b:s16+s25], $0x1, s2, s25, $0xb8;
	[tilespmem:$0x1D480] =	vst v63  }
0x212: {  	_ =	swait.ge [sflag:s15], $0x2800  }
0x213: {  	[sflag:s15] =	ssyncset.done $0x0  }
0x214: {  	s26 =	simm.s32 $0x5;
	[sflag:s15] =	ssyncadd.s32 $0xFFFFD800  }
0x215: {  	_ =	swait.ge [sflag:s26], $0x50  }
0x216: {  	[sflag:s26] =	ssyncset.done $0x0  }
0x217: {  	s1 =	simm.s32 $0x1080;
	[sflag:s26] =	ssyncadd.s32 $0xFFFFFFB0  }
0x218: {  	[spmem:s4] =	stream.indirect.scatter.add.f32 [tilespmem:s30], [sflag:$0x8], $0x80, s1, s25, $0xb8;
	[tilespmem:$0x1D480] =	vst v63  }
0x219: {  	s3 =	sand.u32 $0xFF, s22  }
0x21a: {  	[spmem:s5] =	stream.indirect.scatter.add.f32 [tilespmem:s6], [sflag:$0xB], $0x1, s1, s25, $0xb8;
	[tilespmem:$0x1D480] =	vst v63  }
0x21b: {  	s0 =	smul.u32 $0x29, s3  }
0x21c: {  	[spmem:s23] =	stream.indirect.scatter.add.f32 [tilespmem:s11], [sflag:$0xE], $0x1, s1, s25, $0xb8;
	[tilespmem:$0x1D480] =	vst v63  }
0x21d: {  	s0 =	sshrl.u32 s0, $0xA;
	_ =	swait.ge [sflag:s19], $0x2800  }
0x21e: {  	s0 =	smul.u32 $0x19, s0;
	[sflag:s19] =	ssyncset.done $0x0  }
0x21f: {  	[sflag:s19] =	ssyncadd.s32 $0xFFFFD800  }
0x220: {  	s0 =	ssub.s32 s22, s0;
	_ =	swait.ge [sflag:s20], $0x50  }
0x221: {  	s0 =	sand.u32 $0xFF, s0;
	[sflag:s20] =	ssyncset.done $0x0  }
0x222: {  	p0 =	sne.s32 s0, $0x0;
	[sflag:s20] =	ssyncadd.s32 $0xFFFFFFB0  }
0x223: {  	s9 =	simm.s32 @!p0 $0x10;
	_ =	swait.ge [sflag:s13], $0x50  }
0x224: {  	s2 =	sshrl.u32 @!p0 s8, $0x3;
	[sflag:s13] =	ssyncset.done $0x0;
	s3 =	rddreg [dreg:$0xa]  }
0x225: {  	s8 =	simm.s32 @!p0 $0x0;
	s3 =	sadd.s32 @!p0 s3, s2;
	[sflag:s13] =	ssyncadd.s32 $0xFFFFFFB0  }
0x226: {  	[tilespmem:s8], [sflag:$0x10] =	stream.linear.gather @!p0 [hbm4b:s3+s8], $0x7D0, $0x38;
	[tilespmem:$0x1D480] =	vst v63  }
0x227: {  	_ =	swait.ge @!p0 [sflag:s9], $0x7D0  }
0x228: {  	[sflag:s9] =	ssyncset.done @!p0 $0x0;
	s3 =	rddreg [dreg:$0xb]  }
0x229: {  	s2 =	sadd.s32 @!p0 s3, s2;
	s3 =	simm.s32 @!p0 $0x800;
	[sflag:s9] =	ssyncadd.s32 @!p0 $0xFFFFF830  }
0x22a: {  	[tilespmem:s3], [sflag:$0x10] =	stream.linear.gather @!p0 [hbm4b:s2+s8], $0x7D0, $0x38;
	[tilespmem:$0x1D480] =	vst v63  }
0x22b: {  	_ =	swait.ge @!p0 [sflag:s9], $0x7D0  }
0x22c: {  	s0 =	smul.u32 $0x50, s0;
	[sflag:s9] =	ssyncset.done @!p0 $0x0  }
0x22d: {  	[sflag:s9] =	ssyncadd.s32 @!p0 $0xFFFFF830  }
0x22e: {  	v2 =	vld [tilespmem:s0+$0x0];
	_ =	sdelay $0x4  }
0x22f: {  	[tilespmem:$0x1000] =	vst v2  }
0x230: {  	v2 =	vld [tilespmem:s0+$0x800];
	_ =	sdelay $0x4  }
0x231: {  	[tilespmem:$0x1180] =	vst v2  }
0x232: {  	v2 =	vld [tilespmem:s0+$0x10];
	_ =	sdelay $0x4  }
0x233: {  	[tilespmem:$0x1010] =	vst v2  }
0x234: {  	v2 =	vld [tilespmem:s0+$0x810];
	_ =	sdelay $0x4  }
0x235: {  	[tilespmem:$0x1190] =	vst v2  }
0x236: {  	v2 =	vld [tilespmem:s0+$0x20];
	_ =	sdelay $0x4  }
0x237: {  	[tilespmem:$0x1020] =	vst v2  }
0x238: {  	v2 =	vld [tilespmem:s0+$0x820];
	_ =	sdelay $0x4  }
0x239: {  	[tilespmem:$0x11A0] =	vst v2  }
0x23a: {  	v2 =	vld [tilespmem:s0+$0x30];
	_ =	sdelay $0x4  }
0x23b: {  	[tilespmem:$0x1030] =	vst v2  }
0x23c: {  	v2 =	vld [tilespmem:s0+$0x830];
	_ =	sdelay $0x4  }
0x23d: {  	[tilespmem:$0x11B0] =	vst v2  }
0x23e: {  	v2 =	vld [tilespmem:s0+$0x40];
	_ =	sdelay $0x4  }
0x23f: {  	[tilespmem:$0x1040] =	vst v2  }
0x240: {  	v2 =	vld [tilespmem:s0+$0x840];
	_ =	sdelay $0x4  }
0x241: {  	s8 =	simm.s32 $0x1180;
	s9 =	simm.s32 $0x1300;
	[tilespmem:$0x11C0] =	vst v2  }
0x242: {  	[tilespmem:s9], [sflag:$0x1] =	stream.indirect.gather [hbm4b:s7+s25], $0x80, s8, s25, $0xb8;
	[tilespmem:$0x1D480] =	vst v63  }
0x243: {  	_ = 	snop  }
0x244: {  	[tilespmem:s24], [sflag:$0x4] =	stream.indirect.gather [hbm4b:s16+s25], $0x1, s8, s25, $0xb8;
	[tilespmem:$0x1D480] =	vst v63  }
0x245: {  	_ =	swait.ge [sflag:s14], $0x2800  }
0x246: {  	[sflag:s14] =	ssyncset.done $0x0  }
0x247: {  	[sflag:s14] =	ssyncadd.s32 $0xFFFFD800  }
0x248: {  	_ =	swait.ge [sflag:s21], $0x50  }
0x249: {  	[sflag:s21] =	ssyncset.done $0x0  }
0x24a: {  	[sflag:s21] =	ssyncadd.s32 $0xFFFFFFB0  }
0x24b: {  	[spmem:s4] =	stream.indirect.scatter.add.f32 [tilespmem:s17], [sflag:$0x9], $0x80, s12, s25, $0xb8;
	[tilespmem:$0x1D480] =	vst v63  }
0x24c: {  	_ = 	snop  }
0x24d: {  	[spmem:s5] =	stream.indirect.scatter.add.f32 [tilespmem:s18], [sflag:$0xC], $0x1, s12, s25, $0xb8;
	[tilespmem:$0x1D480] =	vst v63  }
0x24e: {  	s17 =	simm.s32 $0x8  }
0x24f: {  	[spmem:s23] =	stream.indirect.scatter.add.f32 [tilespmem:s11], [sflag:$0xF], $0x1, s12, s25, $0xb8;
	[tilespmem:$0x1D480] =	vst v63  }
0x250: {  	_ =	swait.ge [sflag:s17], $0x2800  }
0x251: {  	[sflag:s17] =	ssyncset.done $0x0  }
0x252: {  	s18 =	simm.s32 $0xB;
	[sflag:s17] =	ssyncadd.s32 $0xFFFFD800  }
0x253: {  	_ =	swait.ge [sflag:s18], $0x50  }
0x254: {  	[sflag:s18] =	ssyncset.done $0x0  }
0x255: {  	s22 =	simm.s32 $0xE;
	[sflag:s18] =	ssyncadd.s32 $0xFFFFFFB0  }
0x256: {  	_ =	swait.ge [sflag:s22], $0x50  }
0x257: {  	[sflag:s22] =	ssyncset.done $0x0  }
0x258: {  	[sflag:s22] =	ssyncadd.s32 $0xFFFFFFB0  }
0x259: {  	v2 =	vld [tilespmem:$0x780]  }
0x25a: {  	v3 =	vld [tilespmem:$0xF80]  }
0x25b: {  	v4 =	vld [tilespmem:$0x790]  }
0x25c: {  	v5 =	vld [tilespmem:$0xF90]  }
0x25d: {  	v6 =	vld [tilespmem:$0x7A0]  }
0x25e: {  	v61 =	vld [tilespmem:$0xFB0];
	[tilespmem:$0x1080] =	vst v2  }
0x25f: {  	v62 =	vld [tilespmem:$0x7C0];
	[tilespmem:$0x1200] =	vst v3  }
0x260: {  	v63 =	vld [tilespmem:$0xFC0];
	[tilespmem:$0x1090] =	vst v4  }
0x261: {  	v2 =	vld [tilespmem:$0xFA0];
	[tilespmem:$0x1210] =	vst v5  }
0x262: {  	v3 =	vld [tilespmem:$0x7B0];
	[tilespmem:$0x10A0] =	vst v6  }
0x263: {  	[tilespmem:$0x1230] =	vst v61  }
0x264: {  	[tilespmem:$0x10C0] =	vst v62  }
0x265: {  	[tilespmem:$0x1240] =	vst v63  }
0x266: {  	[tilespmem:$0x1220] =	vst v2  }
0x267: {  	[tilespmem:$0x10B0] =	vst v3  }
0x268: {  	[tilespmem:s30], [sflag:$0x2] =	stream.indirect.gather [hbm4b:s7+s25], $0x80, s29, s25, $0xb8;
	[tilespmem:$0x1D480] =	vst v63  }
0x269: {  	_ = 	snop  }
0x26a: {  	[tilespmem:s6], [sflag:$0x5] =	stream.indirect.gather [hbm4b:s16+s25], $0x1, s29, s25, $0xb8;
	[tilespmem:$0x1D480] =	vst v63  }
0x26b: {  	_ =	swait.ge [sflag:s28], $0x2800  }
0x26c: {  	[sflag:s28] =	ssyncset.done $0x0  }
0x26d: {  	[sflag:s28] =	ssyncadd.s32 $0xFFFFD800  }
0x26e: {  	_ =	swait.ge [sflag:s10], $0x50  }
0x26f: {  	[sflag:s10] =	ssyncset.done $0x0  }
0x270: {  	[sflag:s10] =	ssyncadd.s32 $0xFFFFFFB0  }
0x271: {  	[spmem:s4] =	stream.indirect.scatter.add.f32 [tilespmem:s9], [sflag:$0x7], $0x80, s31, s25, $0xb8;
	[tilespmem:$0x1D480] =	vst v63  }
0x272: {  	_ = 	snop  }
0x273: {  	[spmem:s5] =	stream.indirect.scatter.add.f32 [tilespmem:s24], [sflag:$0xA], $0x1, s31, s25, $0xb8;
	[tilespmem:$0x1D480] =	vst v63  }
0x274: {  	_ = 	snop  }
0x275: {  	[spmem:s23] =	stream.indirect.scatter.add.f32 [tilespmem:s11], [sflag:$0xD], $0x1, s31, s25, $0xb8;
	[tilespmem:$0x1D480] =	vst v63  }
0x276: {  	s31 =	simm.s32 $0x9  }
0x277: {  	_ =	swait.ge [sflag:s31], $0x2800  }
0x278: {  	[sflag:s31] =	ssyncset.done $0x0  }
0x279: {  	s9 =	simm.s32 $0xC;
	[sflag:s31] =	ssyncadd.s32 $0xFFFFD800  }
0x27a: {  	_ =	swait.ge [sflag:s9], $0x50  }
0x27b: {  	[sflag:s9] =	ssyncset.done $0x0  }
0x27c: {  	s10 =	simm.s32 $0xF;
	[sflag:s9] =	ssyncadd.s32 $0xFFFFFFB0  }
0x27d: {  	_ =	swait.ge [sflag:s10], $0x50  }
0x27e: {  	[sflag:s10] =	ssyncset.done $0x0  }
0x27f: {  	[sflag:s10] =	ssyncadd.s32 $0xFFFFFFB0  }
0x280: {  	_ =	swait.ge [sflag:s15], $0x2800  }
0x281: {  	[sflag:s15] =	ssyncset.done $0x0  }
0x282: {  	[sflag:s15] =	ssyncadd.s32 $0xFFFFD800  }
0x283: {  	_ =	swait.ge [sflag:s26], $0x50  }
0x284: {  	[sflag:s26] =	ssyncset.done $0x0  }
0x285: {  	[sflag:s26] =	ssyncadd.s32 $0xFFFFFFB0  }
0x286: {  	[spmem:s4] =	stream.indirect.scatter.add.f32 [tilespmem:s30], [sflag:$0x8], $0x80, s1, s25, $0xb8;
	[tilespmem:$0x1D480] =	vst v63  }
0x287: {  	_ = 	snop  }
0x288: {  	[spmem:s5] =	stream.indirect.scatter.add.f32 [tilespmem:s6], [sflag:$0xB], $0x1, s1, s25, $0xb8;
	[tilespmem:$0x1D480] =	vst v63  }
0x289: {  	_ = 	snop  }
0x28a: {  	[spmem:s23] =	stream.indirect.scatter.add.f32 [tilespmem:s11], [sflag:$0xE], $0x1, s1, s25, $0xb8;
	[tilespmem:$0x1D480] =	vst v63  }
0x28b: {  	_ =	swait.ge [sflag:s19], $0x2800  }
0x28c: {  	[sflag:s19] =	ssyncset.done $0x0  }
0x28d: {  	[sflag:s19] =	ssyncadd.s32 $0xFFFFD800  }
0x28e: {  	_ =	swait.ge [sflag:s20], $0x50  }
0x28f: {  	[sflag:s20] =	ssyncset.done $0x0  }
0x290: {  	[sflag:s20] =	ssyncadd.s32 $0xFFFFFFB0  }
0x291: {  	_ =	swait.ge [sflag:s13], $0x50  }
0x292: {  	[sflag:s13] =	ssyncset.done $0x0  }
0x293: {  	[sflag:s13] =	ssyncadd.s32 $0xFFFFFFB0  }
0x294: {  	_ =	swait.ge [sflag:s17], $0x2800  }
0x295: {  	[sflag:s17] =	ssyncset.done $0x0  }
0x296: {  	[sflag:s17] =	ssyncadd.s32 $0xFFFFD800  }
0x297: {  	_ =	swait.ge [sflag:s18], $0x50  }
0x298: {  	[sflag:s18] =	ssyncset.done $0x0  }
0x299: {  	[sflag:s18] =	ssyncadd.s32 $0xFFFFFFB0  }
0x29a: {  	_ =	swait.ge [sflag:s22], $0x50  }
0x29b: {  	[sflag:s22] =	ssyncset.done $0x0  }
0x29c: {  	[sflag:s22] =	ssyncadd.s32 $0xFFFFFFB0  }
0x29d: {  	[bflag:$0x0] =	sbarrier.arrive $0xFFFF  }
0x29e: {  	s22 =	rddreg [dreg:$0xe]  }
0x29f: {  	s11 =	rddreg [dreg:$0x13]  }
0x2a0: {  	s3 =	simm.s32 $0x10;
	s15 =	rddreg [dreg:$0x19]  }
0x2a1: {  	[hbm:s11], [sflag:s22] =	dma.local [spmem:s15], $0x2800  }
0x2a2: {  	_ =	swait.ge [sflag:s3], $0x2800  }
0x2a3: {  	s18 =	simm.s32 $0x20;
	[sflag:s3] =	ssyncset.done $0x0;
	s23 =	rddreg [dreg:$0xf]  }
0x2a4: {  	s17 =	rddreg [dreg:$0x14];
	[sflag:s3] =	ssyncadd.s32 $0xFFFFD800;
	s16 =	sshrl.u32 s23, $0x3  }
0x2a5: {  	[hbm:s17@s18], [sflag:s22] =	dma.strided [spmem:s16@s3], $0x50, s28, $0x10   }
0x2a6: {  	_ =	swait.ge [sflag:s3], $0x50  }
0x2a7: {  	[sflag:s3] =	ssyncset.done $0x0;
	s26 =	rddreg [dreg:$0x10]  }
0x2a8: {  	s29 =	rddreg [dreg:$0x15];
	[sflag:s3] =	ssyncadd.s32 $0xFFFFFFB0;
	s24 =	sshrl.u32 s26, $0x3  }
0x2a9: {  	[hbm:s29@s18], [sflag:s22] =	dma.strided [spmem:s24@s3], $0x50, s28, $0x10   }
0x2aa: {  	_ =	swait.ge [sflag:s3], $0x50  }
0x2ab: {  	s30 =	rddreg [dreg:$0x18]  }
0x2ac: {  	s31 =	rddreg [dreg:$0x16];
	s1 =	sadd.s32 $0x1, s30  }
0x2ad: {  	p0 =	sne.s32 s1, s31  }
.Ltmp1:
0x2ae: {  	_ = 	snop;
	(pc) =	sbr.rel @p0 .LBB2_1-.Ltmp1, $3  }
0x2af: {  	_ =	sdelay $0x1  }
0x2b0: {  	[sflag:s3] =	ssyncset.done $0x0  }
0x2b1: {  	[sflag:s3] =	ssyncadd.s32 $0xFFFFFFB0  }
0x2b2: {  	_ =	sfence.sel $0x180000  }
0x2b3: {  	[bflag:$0x0] =	sbarrier.arrive $0xFFFF  }
0x2b4: {  	_ =	strace $0x90000047  }
0x2b5: {  	s0 =	stileid.u32;
	[bflag:$0x2] =	sbarrier.arrive $0xFFFF  }
0x2b6: {  	p0 =	sne.s32 s0, $0x0;
	s0 =	rddreg [dreg:$0x5]  }
0x2b7: {  	s0 =	sadd.s32 @!p0 $0x100000, s0  }
0x2b8: {  	[sflag:s0] =	ssyncadd.tile.s32 @!p0 $0x1;
	_ =	shalt  }
.Lfunc_end2:
_tile_overlayer_lowered:
.L_overlay_start_2:
0x2b9: {  	(tag) =	ssettag $0x2  }
0x2ba: {  	s0 =	rddreg [dreg:$0x0];
	s2 =	stileid.u32  }
0x2bb: {  	s1 =	rddreg [dreg:$0x1];
	p0 =	sne.s32 s2, $0x0  }
0x2bc: {  	s3 =	rddreg [dreg:$0x2];
	[bflag:$0x3] =	sbarrier.arrive $0xFFFF;
	s2 =	simm.s32 @!p0 $0x1C10  }
0x2bd: {  	[timem:s3], [sflag:s2] =	dma.local @!p0 [hbm:s0], s1  }
0x2be: {  	s0 =	simm.s32 @!p0 $0x10  }
0x2bf: {  	_ =	swait.ge @!p0 [sflag:s0], s1  }
0x2c0: {  	s1 =	ssub.s32 @!p0 $0x0, s1;
	[sflag:s0] =	ssyncset.done @!p0 $0x0  }
0x2c1: {  	[sflag:s0] =	ssyncadd.s32 @!p0 s1  }
0x2c2: {  	[bflag:$0x3] =	sbarrier.arrive $0xFFFF  }
0x2c3: {  	_ =	shalt  }

</sc_bundles>
